<compile_context>
chip_gen: v7x
topology: tpu7x:2x2x1
jax: 0.10.2.dev20260603
libtpu: 0.0.44.dev20260713+nightly
codegen_flags: <defaults>
</compile_context>

<pallas_src>
import functools

import jax
import jax.numpy as jnp
from jax import lax
from jax.experimental import pallas as pl
from jax.experimental.pallas import tpu as pltpu
from jax.experimental.pallas import tpu_sc as plsc

N_NODES = 10000
N_PAD = 10240
D = 128
E = 320000
CHUNK = 128
NCORE = 2
NSUB = 16
NW = NCORE * NSUB
CPT = 80
E_PAD = NW * CPT * CHUNK
NBLK = N_PAD // CHUNK
BPT = NBLK // NSUB

_MESH = plsc.VectorSubcoreMesh(
    core_axis_name="c", subcore_axis_name="s", num_cores=NCORE, num_subcores=NSUB
)



@functools.partial(
    pl.kernel,
    out_type=jax.ShapeDtypeStruct((NW, N_PAD), jnp.float32),
    mesh=_MESH,
    compiler_params=pltpu.CompilerParams(needs_layout_passes=False),
    scratch_types=[
        pltpu.VMEM((CPT * CHUNK,), jnp.int32),
        pltpu.VMEM((N_PAD,), jnp.float32),
    ],
)
def _deg_call(dst_hbm, out_hbm, di_v, hist_v):
    c = lax.axis_index("c")
    s = lax.axis_index("s")
    wid = s * NCORE + c

    z16 = jnp.zeros((16,), jnp.float32)
    o16 = jnp.ones((16,), jnp.float32)

    def init(i, _):
        hist_v[pl.ds(i * 16, 16)] = z16
        return 0
    lax.fori_loop(0, N_PAD // 16, init, 0)

    pltpu.sync_copy(dst_hbm.at[wid], di_v)

    def hbody(i, _):
        idx = di_v[pl.ds(i * 16, 16)]
        plsc.addupdate_scatter(hist_v, [idx], o16)
        return 0
    lax.fori_loop(0, CPT * CHUNK // 16, hbody, 0)

    pltpu.sync_copy(hist_v, out_hbm.at[wid])


@functools.partial(
    pl.kernel,
    out_type=jax.ShapeDtypeStruct((NCORE, N_PAD, D), jnp.float32),
    mesh=_MESH,
    scratch_types=[
        pltpu.VMEM((CHUNK,), jnp.int32),
        pltpu.VMEM((CHUNK,), jnp.int32),
        pltpu.VMEM((CHUNK,), jnp.int32),
        pltpu.VMEM((CHUNK,), jnp.int32),
        pltpu.VMEM((CHUNK,), jnp.int32),
        pltpu.VMEM((CHUNK, D), jnp.float32),
        pltpu.VMEM((CHUNK, D), jnp.float32),
        pltpu.VMEM_SHARED((N_PAD, D), jnp.float32),
        pltpu.SemaphoreType.DMA,
        pltpu.SemaphoreType.DMA,
        pltpu.SemaphoreType.DMA,
    ],
)
def _agg_call(h_hbm, src_hbm, dst_hbm, rid_hbm, out_hbm,
              si0, si1, di0, di1, rid_v, rows0, rows1, acc_sh,
              semg0, semg1, semi):
    c = lax.axis_index("c")
    s = lax.axis_index("s")
    wid = s * NCORE + c

    z16 = jnp.zeros((16,), jnp.float32)

    def init(i, _):
        for k in range(D // 16):
            rows0[i, pl.ds(k * 16, 16)] = z16
        return 0
    lax.fori_loop(0, CHUNK, init, 0)

    def zero_blk(t, _):
        pltpu.sync_copy(rid_hbm.at[s * BPT + t], rid_v)
        pltpu.sync_copy(rows0, acc_sh.at[rid_v])
        return 0
    lax.fori_loop(0, BPT, zero_blk, 0)
    plsc.subcore_barrier()

    pltpu.sync_copy(src_hbm.at[wid, 0], si0)
    pltpu.sync_copy(dst_hbm.at[wid, 0], di0)
    pltpu.async_copy(h_hbm.at[si0], rows0, semg0)

    def body(t, _):
        j1 = 2 * t + 1
        j2 = lax.rem(2 * t + 2, CPT)
        pltpu.async_copy(src_hbm.at[wid, j1], si1, semi)
        pltpu.async_copy(dst_hbm.at[wid, j1], di1, semi)
        pltpu.make_async_copy(h_hbm.at[si0], rows0, semg0).wait()
        pltpu.make_async_copy(src_hbm.at[wid, j1], si1, semi).wait()
        pltpu.make_async_copy(dst_hbm.at[wid, j1], di1, semi).wait()
        pltpu.async_copy(h_hbm.at[si1], rows1, semg1)
        pltpu.sync_copy(rows0, acc_sh.at[di0], add=True)
        pltpu.async_copy(src_hbm.at[wid, j2], si0, semi)
        pltpu.async_copy(dst_hbm.at[wid, j2], di0, semi)
        pltpu.make_async_copy(h_hbm.at[si1], rows1, semg1).wait()
        pltpu.make_async_copy(src_hbm.at[wid, j2], si0, semi).wait()
        pltpu.make_async_copy(dst_hbm.at[wid, j2], di0, semi).wait()
        pltpu.async_copy(h_hbm.at[si0], rows0, semg0)
        pltpu.sync_copy(rows1, acc_sh.at[di1], add=True)
        return 0
    lax.fori_loop(0, CPT // 2, body, 0)

    pltpu.make_async_copy(h_hbm.at[si0], rows0, semg0).wait()
    plsc.subcore_barrier()

    def copy_blk(t, _):
        blk = s * BPT + t
        pltpu.sync_copy(rid_hbm.at[blk], rid_v)
        pltpu.async_copy(acc_sh.at[rid_v], rows0, semg0).wait()
        pltpu.sync_copy(rows0, out_hbm.at[c, pl.ds(blk * CHUNK, CHUNK)])
        return 0
    lax.fori_loop(0, BPT, copy_blk, 0)



_BM = 1280
_GRID = N_PAD // _BM


def _scale_mm_body(x_ref, w_ref, dt_ref, o_ref):
    d = lax.rsqrt(jnp.sum(dt_ref[...], axis=1, keepdims=True) + 1.0)
    o_ref[...] = jnp.dot(x_ref[...], w_ref[...], preferred_element_type=jnp.float32) * d


def _mid_body(a0_ref, a1_ref, hp_ref, dt_ref, w_ref, b_ref, o_ref):
    d = lax.rsqrt(jnp.sum(dt_ref[...], axis=1, keepdims=True) + 1.0)
    x2 = jnp.maximum(d * (a0_ref[0] + a1_ref[0] + hp_ref[...]) + b_ref[...], 0.0)
    h2 = jnp.dot(x2, w_ref[...], preferred_element_type=jnp.float32) * d
    i = pl.program_id(0)
    rows = i * _BM + lax.broadcasted_iota(jnp.int32, (_BM, 1), 0)
    o_ref[...] = jnp.where(rows < N_NODES, h2, 0.0)


def _final_body(a0_ref, a1_ref, hp_ref, dt_ref, b_ref, wc_ref, bc_ref, o_ref):
    d = lax.rsqrt(jnp.sum(dt_ref[...], axis=1, keepdims=True) + 1.0)
    x3 = jnp.maximum(d * (a0_ref[0] + a1_ref[0] + hp_ref[...]) + b_ref[...], 0.0)
    lg = jnp.dot(x3, wc_ref[...], preferred_element_type=jnp.float32) + bc_ref[...]
    m = jnp.max(lg, axis=1, keepdims=True)
    ssum = jnp.sum(jnp.exp(lg - m), axis=1, keepdims=True)
    o_ref[...] = lg - m - jnp.log(ssum)


def _row_spec(bm, bn):
    return pl.BlockSpec((bm, bn), lambda i: (i, 0))


def _full_spec(bm, bn):
    return pl.BlockSpec((bm, bn), lambda i: (0, 0))


def _agg_spec(part):
    return pl.BlockSpec((1, _BM, D), lambda i, p=part: (p, i, 0))



def kernel(x, edge_index, W1, b1, W2, b2, Wc, bc):
    ei = edge_index.astype(jnp.int32)
    npad = E_PAD - E
    src = jnp.concatenate([ei[0], jnp.full((npad,), N_NODES, jnp.int32)])
    dst = jnp.concatenate([ei[1], jnp.full((npad,), N_PAD - 1, jnp.int32)])
    src3 = src.reshape(NW, CPT, CHUNK)
    dst3 = dst.reshape(NW, CPT, CHUNK)
    rowids = jnp.arange(N_PAD, dtype=jnp.int32).reshape(NBLK, CHUNK)
    xp = jnp.pad(x, ((0, N_PAD - N_NODES), (0, 0)))

    dst2 = dst.reshape(NW, CPT * CHUNK)
    degp = _deg_call(dst2)
    degT = degp.T

    hp1 = pl.pallas_call(
        _scale_mm_body,
        grid=(_GRID,),
        in_specs=[_row_spec(_BM, D), _full_spec(D, D), _row_spec(_BM, NW)],
        out_specs=_row_spec(_BM, D),
        out_shape=jax.ShapeDtypeStruct((N_PAD, D), jnp.float32),
    )(xp, W1, degT)

    aggp1 = _agg_call(hp1, src3, dst3, rowids)

    hp2 = pl.pallas_call(
        _mid_body,
        grid=(_GRID,),
        in_specs=[_agg_spec(0), _agg_spec(1), _row_spec(_BM, D), _row_spec(_BM, NW),
                  _full_spec(D, D), _full_spec(1, D)],
        out_specs=_row_spec(_BM, D),
        out_shape=jax.ShapeDtypeStruct((N_PAD, D), jnp.float32),
    )(aggp1, aggp1, hp1, degT, W2, b1.reshape(1, D))

    aggp2 = _agg_call(hp2, src3, dst3, rowids)

    Wcp = jnp.pad(Wc, ((0, 0), (0, D - Wc.shape[1])))
    bcp = jnp.concatenate([bc, jnp.full((D - bc.shape[0],), -1e30, jnp.float32)])

    outp = pl.pallas_call(
        _final_body,
        grid=(_GRID,),
        in_specs=[_agg_spec(0), _agg_spec(1), _row_spec(_BM, D), _row_spec(_BM, NW),
                  _full_spec(1, D), _full_spec(D, D), _full_spec(1, D)],
        out_specs=_row_spec(_BM, D),
        out_shape=jax.ShapeDtypeStruct((N_PAD, D), jnp.float32),
    )(aggp2, aggp2, hp2, degT, b2.reshape(1, D), Wcp, bcp.reshape(1, D))

    return outp[:N_NODES, : Wc.shape[1]]

# --- scband reference (transcript-rebuilt; emitter-appended) ---
"""Pipeline reference for scband-gcn-22325240005451 (READ-ONLY COPY).

The authoritative reference and input builder live on the scoring server;
editing this copy changes nothing except your own understanding.
"""

import jax, jax.numpy as jnp
import numpy as np

N_NODES = 10000
N_EDGES = 320000
D_IN = 128
D_HID = 128
N_CLS = 2


def setup_inputs(seed: int = 0) -> dict:
    key = jax.random.key(seed)
    ks = jax.random.split(key, 8)
    x = jax.random.normal(ks[0], (N_NODES, D_IN), dtype=jnp.float32)
    edge_index = jax.random.randint(ks[1], (2, N_EDGES), 0, N_NODES, dtype=jnp.int64)
    s1 = 1.0 / np.sqrt(D_IN)
    s2 = 1.0 / np.sqrt(D_HID)
    W1 = jax.random.uniform(ks[2], (D_IN, D_HID), dtype=jnp.float32, minval=-s1, maxval=s1)
    b1 = jnp.zeros((D_HID,), dtype=jnp.float32)
    W2 = jax.random.uniform(ks[3], (D_HID, D_HID), dtype=jnp.float32, minval=-s2, maxval=s2)
    b2 = jnp.zeros((D_HID,), dtype=jnp.float32)
    Wc = jax.random.uniform(ks[4], (D_HID, N_CLS), dtype=jnp.float32, minval=-s2, maxval=s2)
    bc = jax.random.uniform(ks[5], (N_CLS,), dtype=jnp.float32, minval=-s2, maxval=s2)
    return {"x": x, "edge_index": edge_index, "W1": W1, "b1": b1, "W2": W2, "b2": b2, "Wc": Wc, "bc": bc}


def _gcn_conv(x, src, dst, norm, W, b):
    h = x @ W
    msgs = h[src] * norm[:, None]
    out = jnp.zeros((x.shape[0], W.shape[1]), dtype=x.dtype).at[dst].add(msgs)
    return out + b


def reference(x, edge_index, W1, b1, W2, b2, Wc, bc):
    n = x.shape[0]
    loop = jnp.arange(n, dtype=edge_index.dtype)
    src = jnp.concatenate([edge_index[0], loop])
    dst = jnp.concatenate([edge_index[1], loop])
    deg = jnp.zeros((n,), dtype=x.dtype).at[dst].add(1.0)
    dis = jnp.where(deg > 0, 1.0 / jnp.sqrt(deg), 0.0)
    norm = dis[src] * dis[dst]
    h = _gcn_conv(x, src, dst, norm, W1, b1)
    h = jax.nn.relu(h)
    # dropout is identity in eval mode
    h = _gcn_conv(h, src, dst, norm, W2, b2)
    h = jax.nn.relu(h)
    logits = h @ Wc + bc
    return jax.nn.log_softmax(logits, axis=1)

if __name__ == "__main__":
    import jax
    _d = setup_inputs()
    print(jax.jit(kernel)(*tuple(_d.values())))

</pallas_src>

<mosaic_0001>
#map = affine_map<(d0, d1) -> (0, 0)>
#map1 = affine_map<(d0, d1) -> (0, 0, 0)>
module attributes {stable_mosaic.version = 14 : i64} {
  func.func @_agg_call(%arg0: i32, %arg1: i32, %arg2: memref<10240x128xf32, #tpu.memory_space<hbm>>, %arg3: memref<32x80x128xi32, #tpu.memory_space<hbm>>, %arg4: memref<32x80x128xi32, #tpu.memory_space<hbm>>, %arg5: memref<80x128xi32, #tpu.memory_space<hbm>>, %arg6: memref<2x10240x128xf32, #tpu.memory_space<hbm>>, %arg7: memref<128xi32, #tpu.memory_space<vmem>>, %arg8: memref<128xi32, #tpu.memory_space<vmem>>, %arg9: memref<128xi32, #tpu.memory_space<vmem>>, %arg10: memref<128xi32, #tpu.memory_space<vmem>>, %arg11: memref<128xi32, #tpu.memory_space<vmem>>, %arg12: memref<128x128xf32, #tpu.memory_space<vmem>>, %arg13: memref<128x128xf32, #tpu.memory_space<vmem>>, %arg14: memref<10240x128xf32, #tpu.memory_space<vmem_shared>>, %arg15: memref<!tpu.dma_semaphore, #tpu.memory_space<semaphore_mem>>, %arg16: memref<!tpu.dma_semaphore, #tpu.memory_space<semaphore_mem>>, %arg17: memref<!tpu.dma_semaphore, #tpu.memory_space<semaphore_mem>>) attributes {dimension_semantics = [#tpu.dimension_semantics<core_parallel>, #tpu.dimension_semantics<subcore_parallel>], iteration_bounds = array<i64: 2, 16>, scalar_prefetch = 0 : i64, scratch_operands = 11 : i64, tpu.core_type = #tpu.core_type<sc_vector_subcore>, window_params = [{transform_indices = #map}, {transform_indices = #map1}, {transform_indices = #map1}, {transform_indices = #map}, {transform_indices = #map1}]} {
    %mul3A = arith.constant 2 : i32
    %mul3A_0 = arith.muli %arg1, %mul3A : i32
    %add3A = arith.addi %mul3A_0, %arg0 : i32
    %broadcast_in_dim3A = arith.constant 0.000000e+00 : f32
    %broadcast_in_dim3A_1 = vector.broadcast %broadcast_in_dim3A : f32 to vector<16xf32>
    %scan3A = arith.constant 0 : i32
    %scan3A_2 = arith.constant 0 : i32
    %scan3A_3 = arith.constant 128 : i32
    %scan3A_4 = arith.addi %scan3A_2, %scan3A_3 : i32
    %scan3A_5 = arith.constant 1 : i32
    %scan3A_6 = scf.for %scan3A_35 = %scan3A_2 to %scan3A_4 step %scan3A_5 iter_args(%scan3A_36 = %scan3A) -> (i32)  : i32 {
      %swap3A = arith.index_cast %scan3A_35 : i32 to index
      %swap3A_37 = arith.constant 0 : index
      %swap3A_38 = tpu.vector_load %arg12[%swap3A, %swap3A_37] {strides = array<i32>} : memref<128x128xf32, #tpu.memory_space<vmem>>, vector<1x16xf32>,
      %swap3A_39 = vector.shape_cast %swap3A_38 : vector<1x16xf32> to vector<16xf32>
      %swap3A_40 = vector.shape_cast %broadcast_in_dim3A_1 : vector<16xf32> to vector<1x16xf32>
      tpu.vector_store %arg12[%swap3A, %swap3A_37], %swap3A_40 {strides = array<i32>} : memref<128x128xf32, #tpu.memory_space<vmem>>, vector<1x16xf32>,
      %swap3A_41 = arith.index_cast %scan3A_35 : i32 to index
      %swap3A_42 = arith.constant 16 : index
      %swap3A_43 = tpu.vector_load %arg12[%swap3A_41, %swap3A_42] {strides = array<i32>} : memref<128x128xf32, #tpu.memory_space<vmem>>, vector<1x16xf32>,
      %swap3A_44 = vector.shape_cast %swap3A_43 : vector<1x16xf32> to vector<16xf32>
      %swap3A_45 = vector.shape_cast %broadcast_in_dim3A_1 : vector<16xf32> to vector<1x16xf32>
      tpu.vector_store %arg12[%swap3A_41, %swap3A_42], %swap3A_45 {strides = array<i32>} : memref<128x128xf32, #tpu.memory_space<vmem>>, vector<1x16xf32>,
      %swap3A_46 = arith.index_cast %scan3A_35 : i32 to index
      %swap3A_47 = arith.constant 32 : index
      %swap3A_48 = tpu.vector_load %arg12[%swap3A_46, %swap3A_47] {strides = array<i32>} : memref<128x128xf32, #tpu.memory_space<vmem>>, vector<1x16xf32>,
      %swap3A_49 = vector.shape_cast %swap3A_48 : vector<1x16xf32> to vector<16xf32>
      %swap3A_50 = vector.shape_cast %broadcast_in_dim3A_1 : vector<16xf32> to vector<1x16xf32>
      tpu.vector_store %arg12[%swap3A_46, %swap3A_47], %swap3A_50 {strides = array<i32>} : memref<128x128xf32, #tpu.memory_space<vmem>>, vector<1x16xf32>,
      %swap3A_51 = arith.index_cast %scan3A_35 : i32 to index
      %swap3A_52 = arith.constant 48 : index
      %swap3A_53 = tpu.vector_load %arg12[%swap3A_51, %swap3A_52] {strides = array<i32>} : memref<128x128xf32, #tpu.memory_space<vmem>>, vector<1x16xf32>,
      %swap3A_54 = vector.shape_cast %swap3A_53 : vector<1x16xf32> to vector<16xf32>
      %swap3A_55 = vector.shape_cast %broadcast_in_dim3A_1 : vector<16xf32> to vector<1x16xf32>
      tpu.vector_store %arg12[%swap3A_51, %swap3A_52], %swap3A_55 {strides = array<i32>} : memref<128x128xf32, #tpu.memory_space<vmem>>, vector<1x16xf32>,
      %swap3A_56 = arith.index_cast %scan3A_35 : i32 to index
      %swap3A_57 = arith.constant 64 : index
      %swap3A_58 = tpu.vector_load %arg12[%swap3A_56, %swap3A_57] {strides = array<i32>} : memref<128x128xf32, #tpu.memory_space<vmem>>, vector<1x16xf32>,
      %swap3A_59 = vector.shape_cast %swap3A_58 : vector<1x16xf32> to vector<16xf32>
      %swap3A_60 = vector.shape_cast %broadcast_in_dim3A_1 : vector<16xf32> to vector<1x16xf32>
      tpu.vector_store %arg12[%swap3A_56, %swap3A_57], %swap3A_60 {strides = array<i32>} : memref<128x128xf32, #tpu.memory_space<vmem>>, vector<1x16xf32>,
      %swap3A_61 = arith.index_cast %scan3A_35 : i32 to index
      %swap3A_62 = arith.constant 80 : index
      %swap3A_63 = tpu.vector_load %arg12[%swap3A_61, %swap3A_62] {strides = array<i32>} : memref<128x128xf32, #tpu.memory_space<vmem>>, vector<1x16xf32>,
      %swap3A_64 = vector.shape_cast %swap3A_63 : vector<1x16xf32> to vector<16xf32>
      %swap3A_65 = vector.shape_cast %broadcast_in_dim3A_1 : vector<16xf32> to vector<1x16xf32>
      tpu.vector_store %arg12[%swap3A_61, %swap3A_62], %swap3A_65 {strides = array<i32>} : memref<128x128xf32, #tpu.memory_space<vmem>>, vector<1x16xf32>,
      %swap3A_66 = arith.index_cast %scan3A_35 : i32 to index
      %swap3A_67 = arith.constant 96 : index
      %swap3A_68 = tpu.vector_load %arg12[%swap3A_66, %swap3A_67] {strides = array<i32>} : memref<128x128xf32, #tpu.memory_space<vmem>>, vector<1x16xf32>,
      %swap3A_69 = vector.shape_cast %swap3A_68 : vector<1x16xf32> to vector<16xf32>
      %swap3A_70 = vector.shape_cast %broadcast_in_dim3A_1 : vector<16xf32> to vector<1x16xf32>
      tpu.vector_store %arg12[%swap3A_66, %swap3A_67], %swap3A_70 {strides = array<i32>} : memref<128x128xf32, #tpu.memory_space<vmem>>, vector<1x16xf32>,
      %swap3A_71 = arith.index_cast %scan3A_35 : i32 to index
      %swap3A_72 = arith.constant 112 : index
      %swap3A_73 = tpu.vector_load %arg12[%swap3A_71, %swap3A_72] {strides = array<i32>} : memref<128x128xf32, #tpu.memory_space<vmem>>, vector<1x16xf32>,
      %swap3A_74 = vector.shape_cast %swap3A_73 : vector<1x16xf32> to vector<16xf32>
      %swap3A_75 = vector.shape_cast %broadcast_in_dim3A_1 : vector<16xf32> to vector<1x16xf32>
      tpu.vector_store %arg12[%swap3A_71, %swap3A_72], %swap3A_75 {strides = array<i32>} : memref<128x128xf32, #tpu.memory_space<vmem>>, vector<1x16xf32>,
      %scan3A_76 = arith.constant 0 : i32
      scf.yield %scan3A_76 : i32
    }
    %scan3A_7 = arith.constant 128 : i32
    %scan3A_8 = arith.constant 0 : i32
    %scan3A_9 = arith.constant 0 : i32
    %scan3A_10 = arith.constant 5 : i32
    %scan3A_11 = arith.addi %scan3A_9, %scan3A_10 : i32
    %scan3A_12 = arith.constant 1 : i32
    %scan3A_13 = scf.for %scan3A_35 = %scan3A_9 to %scan3A_11 step %scan3A_12 iter_args(%scan3A_36 = %scan3A_8) -> (i32)  : i32 {
      %mul3A_37 = arith.constant 5 : i32
      %mul3A_38 = arith.muli %arg1, %mul3A_37 : i32
      %add3A_39 = arith.addi %mul3A_38, %scan3A_35 : i32
      "tpu.region"() ({
        %run_scoped3A_41 = tpu.sem_alloc : memref<!tpu.dma_semaphore, #tpu.memory_space<semaphore_mem>>
        %dma_start3A_42 = arith.constant 0 : i32
        %dma_start3A_43 = tpu.memref_slice %arg5[%add3A_39, %dma_start3A_42] : memref<80x128xi32, #tpu.memory_space<hbm>> -> memref<1x128xi32, #tpu.memory_space<hbm>>
        %dma_start3A_44 = tpu.memref_squeeze %dma_start3A_43 : memref<1x128xi32, #tpu.memory_space<hbm>> -> memref<128xi32, #tpu.memory_space<hbm>>
        %dma_start3A_45 = arith.constant 0 : i32
        %dma_start3A_46 = tpu.memref_slice %arg5[%add3A_39, %dma_start3A_45] : memref<80x128xi32, #tpu.memory_space<hbm>> -> memref<1x128xi32, #tpu.memory_space<hbm>>
        %dma_start3A_47 = tpu.memref_squeeze %dma_start3A_46 : memref<1x128xi32, #tpu.memory_space<hbm>> -> memref<128xi32, #tpu.memory_space<hbm>>
        tpu.enqueue_dma source(%dma_start3A_47 : memref<128xi32, #tpu.memory_space<hbm>>) target(%arg11 : memref<128xi32, #tpu.memory_space<vmem>>) target_semaphore(%run_scoped3A_41 : memref<!tpu.dma_semaphore, #tpu.memory_space<semaphore_mem>>)
        %dma_wait3A_48 = arith.constant 0 : i32
        %dma_wait3A_49 = tpu.memref_slice %arg5[%add3A_39, %dma_wait3A_48] : memref<80x128xi32, #tpu.memory_space<hbm>> -> memref<1x128xi32, #tpu.memory_space<hbm>>
        %dma_wait3A_50 = tpu.memref_squeeze %dma_wait3A_49 : memref<1x128xi32, #tpu.memory_space<hbm>> -> memref<128xi32, #tpu.memory_space<hbm>>
        %dma_wait3A_51 = arith.constant 0 : i32
        %dma_wait3A_52 = tpu.memref_slice %arg5[%add3A_39, %dma_wait3A_51] : memref<80x128xi32, #tpu.memory_space<hbm>> -> memref<1x128xi32, #tpu.memory_space<hbm>>
        %dma_wait3A_53 = tpu.memref_squeeze %dma_wait3A_52 : memref<1x128xi32, #tpu.memory_space<hbm>> -> memref<128xi32, #tpu.memory_space<hbm>>
        tpu.wait_dma2 semaphore(%run_scoped3A_41 : memref<!tpu.dma_semaphore, #tpu.memory_space<semaphore_mem>>) src(%dma_wait3A_53 : memref<128xi32, #tpu.memory_space<hbm>>) dst(%arg11 : memref<128xi32, #tpu.memory_space<vmem>>)
        tpu.yield
      }) : () -> ()
      "tpu.region"() ({
        %run_scoped3A_41 = tpu.sem_alloc : memref<!tpu.dma_semaphore, #tpu.memory_space<semaphore_mem>>
        %dma_start3A_42 = arith.constant 0 : i32
        %dma_start3A_43 = arith.constant 0 : i32
        %dma_start3A_44 = tpu.memref_slice %arg14[%dma_start3A_42, %dma_start3A_43] : memref<10240x128xf32, #tpu.memory_space<vmem_shared>> -> memref<10240x128xf32, #tpu.memory_space<vmem_shared>>
        tpu.enqueue_indirect_dma source(%arg12 : memref<128x128xf32, #tpu.memory_space<vmem>>) target(%dma_start3A_44 : memref<10240x128xf32, #tpu.memory_space<vmem_shared>>) offsets(%arg11 : memref<128xi32, #tpu.memory_space<vmem>>) semaphore(%run_scoped3A_41 : memref<!tpu.dma_semaphore, #tpu.memory_space<semaphore_mem>>)
        %dma_wait3A_45 = arith.constant 0 : i32
        %dma_wait3A_46 = arith.constant 0 : i32
        %dma_wait3A_47 = tpu.memref_slice %arg14[%dma_wait3A_45, %dma_wait3A_46] : memref<10240x128xf32, #tpu.memory_space<vmem_shared>> -> memref<10240x128xf32, #tpu.memory_space<vmem_shared>>
        tpu.wait_indirect_dma semaphore(%run_scoped3A_41 : memref<!tpu.dma_semaphore, #tpu.memory_space<semaphore_mem>>) src(%arg12 : memref<128x128xf32, #tpu.memory_space<vmem>>) dst(%dma_wait3A_47 : memref<10240x128xf32, #tpu.memory_space<vmem_shared>>)
        tpu.yield
      }) : () -> ()
      %scan3A_40 = arith.constant 0 : i32
      scf.yield %scan3A_40 : i32
    }
    %scan3A_14 = arith.constant 5 : i32
    %barrier3A = arith.constant 0 : index
    tpu.barrier barrier_id(%barrier3A)
    %run_scoped3A = arith.constant 0 : i32
    "tpu.region"() ({
      %run_scoped3A_35 = tpu.sem_alloc : memref<!tpu.dma_semaphore, #tpu.memory_space<semaphore_mem>>
      %dma_start3A_36 = arith.constant 0 : i32
      %dma_start3A_37 = tpu.memref_slice %arg3[%add3A, %run_scoped3A, %dma_start3A_36] : memref<32x80x128xi32, #tpu.memory_space<hbm>> -> memref<1x1x128xi32, #tpu.memory_space<hbm>>
      %dma_start3A_38 = tpu.memref_squeeze %dma_start3A_37 : memref<1x1x128xi32, #tpu.memory_space<hbm>> -> memref<128xi32, #tpu.memory_space<hbm>>
      %dma_start3A_39 = arith.constant 0 : i32
      %dma_start3A_40 = tpu.memref_slice %arg3[%add3A, %run_scoped3A, %dma_start3A_39] : memref<32x80x128xi32, #tpu.memory_space<hbm>> -> memref<1x1x128xi32, #tpu.memory_space<hbm>>
      %dma_start3A_41 = tpu.memref_squeeze %dma_start3A_40 : memref<1x1x128xi32, #tpu.memory_space<hbm>> -> memref<128xi32, #tpu.memory_space<hbm>>
      tpu.enqueue_dma source(%dma_start3A_41 : memref<128xi32, #tpu.memory_space<hbm>>) target(%arg7 : memref<128xi32, #tpu.memory_space<vmem>>) target_semaphore(%run_scoped3A_35 : memref<!tpu.dma_semaphore, #tpu.memory_space<semaphore_mem>>)
      %dma_wait3A_42 = arith.constant 0 : i32
      %dma_wait3A_43 = tpu.memref_slice %arg3[%add3A, %run_scoped3A, %dma_wait3A_42] : memref<32x80x128xi32, #tpu.memory_space<hbm>> -> memref<1x1x128xi32, #tpu.memory_space<hbm>>
      %dma_wait3A_44 = tpu.memref_squeeze %dma_wait3A_43 : memref<1x1x128xi32, #tpu.memory_space<hbm>> -> memref<128xi32, #tpu.memory_space<hbm>>
      %dma_wait3A_45 = arith.constant 0 : i32
      %dma_wait3A_46 = tpu.memref_slice %arg3[%add3A, %run_scoped3A, %dma_wait3A_45] : memref<32x80x128xi32, #tpu.memory_space<hbm>> -> memref<1x1x128xi32, #tpu.memory_space<hbm>>
      %dma_wait3A_47 = tpu.memref_squeeze %dma_wait3A_46 : memref<1x1x128xi32, #tpu.memory_space<hbm>> -> memref<128xi32, #tpu.memory_space<hbm>>
      tpu.wait_dma2 semaphore(%run_scoped3A_35 : memref<!tpu.dma_semaphore, #tpu.memory_space<semaphore_mem>>) src(%dma_wait3A_47 : memref<128xi32, #tpu.memory_space<hbm>>) dst(%arg7 : memref<128xi32, #tpu.memory_space<vmem>>)
      tpu.yield
    }) : () -> ()
    %run_scoped3A_15 = arith.constant 0 : i32
    "tpu.region"() ({
      %run_scoped3A_35 = tpu.sem_alloc : memref<!tpu.dma_semaphore, #tpu.memory_space<semaphore_mem>>
      %dma_start3A_36 = arith.constant 0 : i32
      %dma_start3A_37 = tpu.memref_slice %arg4[%add3A, %run_scoped3A_15, %dma_start3A_36] : memref<32x80x128xi32, #tpu.memory_space<hbm>> -> memref<1x1x128xi32, #tpu.memory_space<hbm>>
      %dma_start3A_38 = tpu.memref_squeeze %dma_start3A_37 : memref<1x1x128xi32, #tpu.memory_space<hbm>> -> memref<128xi32, #tpu.memory_space<hbm>>
      %dma_start3A_39 = arith.constant 0 : i32
      %dma_start3A_40 = tpu.memref_slice %arg4[%add3A, %run_scoped3A_15, %dma_start3A_39] : memref<32x80x128xi32, #tpu.memory_space<hbm>> -> memref<1x1x128xi32, #tpu.memory_space<hbm>>
      %dma_start3A_41 = tpu.memref_squeeze %dma_start3A_40 : memref<1x1x128xi32, #tpu.memory_space<hbm>> -> memref<128xi32, #tpu.memory_space<hbm>>
      tpu.enqueue_dma source(%dma_start3A_41 : memref<128xi32, #tpu.memory_space<hbm>>) target(%arg9 : memref<128xi32, #tpu.memory_space<vmem>>) target_semaphore(%run_scoped3A_35 : memref<!tpu.dma_semaphore, #tpu.memory_space<semaphore_mem>>)
      %dma_wait3A_42 = arith.constant 0 : i32
      %dma_wait3A_43 = tpu.memref_slice %arg4[%add3A, %run_scoped3A_15, %dma_wait3A_42] : memref<32x80x128xi32, #tpu.memory_space<hbm>> -> memref<1x1x128xi32, #tpu.memory_space<hbm>>
      %dma_wait3A_44 = tpu.memref_squeeze %dma_wait3A_43 : memref<1x1x128xi32, #tpu.memory_space<hbm>> -> memref<128xi32, #tpu.memory_space<hbm>>
      %dma_wait3A_45 = arith.constant 0 : i32
      %dma_wait3A_46 = tpu.memref_slice %arg4[%add3A, %run_scoped3A_15, %dma_wait3A_45] : memref<32x80x128xi32, #tpu.memory_space<hbm>> -> memref<1x1x128xi32, #tpu.memory_space<hbm>>
      %dma_wait3A_47 = tpu.memref_squeeze %dma_wait3A_46 : memref<1x1x128xi32, #tpu.memory_space<hbm>> -> memref<128xi32, #tpu.memory_space<hbm>>
      tpu.wait_dma2 semaphore(%run_scoped3A_35 : memref<!tpu.dma_semaphore, #tpu.memory_space<semaphore_mem>>) src(%dma_wait3A_47 : memref<128xi32, #tpu.memory_space<hbm>>) dst(%arg9 : memref<128xi32, #tpu.memory_space<vmem>>)
      tpu.yield
    }) : () -> ()
    %dma_start3A = arith.constant 0 : i32
    %dma_start3A_16 = arith.constant 0 : i32
    %dma_start3A_17 = tpu.memref_slice %arg2[%dma_start3A, %dma_start3A_16] : memref<10240x128xf32, #tpu.memory_space<hbm>> -> memref<10240x128xf32, #tpu.memory_space<hbm>>
    tpu.enqueue_indirect_dma source(%dma_start3A_17 : memref<10240x128xf32, #tpu.memory_space<hbm>>) target(%arg12 : memref<128x128xf32, #tpu.memory_space<vmem>>) offsets(%arg7 : memref<128xi32, #tpu.memory_space<vmem>>) semaphore(%arg15 : memref<!tpu.dma_semaphore, #tpu.memory_space<semaphore_mem>>)
    %scan3A_18 = arith.constant 0 : i32
    %scan3A_19 = arith.constant 0 : i32
    %scan3A_20 = arith.constant 40 : i32
    %scan3A_21 = arith.addi %scan3A_19, %scan3A_20 : i32
    %scan3A_22 = arith.constant 1 : i32
    %scan3A_23 = scf.for %scan3A_35 = %scan3A_19 to %scan3A_21 step %scan3A_22 iter_args(%scan3A_36 = %scan3A_18) -> (i32)  : i32 {
      %mul3A_37 = arith.constant 2 : i32
      %mul3A_38 = arith.muli %mul3A_37, %scan3A_35 : i32
      %add3A_39 = arith.constant 1 : i32
      %add3A_40 = arith.addi %mul3A_38, %add3A_39 : i32
      %mul3A_41 = arith.constant 2 : i32
      %mul3A_42 = arith.muli %mul3A_41, %scan3A_35 : i32
      %add3A_43 = arith.constant 2 : i32
      %add3A_44 = arith.addi %mul3A_42, %add3A_43 : i32
      %rem3A = arith.constant 80 : i32
      %rem3A_45 = arith.remsi %add3A_44, %rem3A : i32
      %dma_start3A_46 = arith.constant 0 : i32
      %dma_start3A_47 = tpu.memref_slice %arg3[%add3A, %add3A_40, %dma_start3A_46] : memref<32x80x128xi32, #tpu.memory_space<hbm>> -> memref<1x1x128xi32, #tpu.memory_space<hbm>>
      %dma_start3A_48 = tpu.memref_squeeze %dma_start3A_47 : memref<1x1x128xi32, #tpu.memory_space<hbm>> -> memref<128xi32, #tpu.memory_space<hbm>>
      %dma_start3A_49 = arith.constant 0 : i32
      %dma_start3A_50 = tpu.memref_slice %arg3[%add3A, %add3A_40, %dma_start3A_49] : memref<32x80x128xi32, #tpu.memory_space<hbm>> -> memref<1x1x128xi32, #tpu.memory_space<hbm>>
      %dma_start3A_51 = tpu.memref_squeeze %dma_start3A_50 : memref<1x1x128xi32, #tpu.memory_space<hbm>> -> memref<128xi32, #tpu.memory_space<hbm>>
      tpu.enqueue_dma source(%dma_start3A_51 : memref<128xi32, #tpu.memory_space<hbm>>) target(%arg8 : memref<128xi32, #tpu.memory_space<vmem>>) target_semaphore(%arg17 : memref<!tpu.dma_semaphore, #tpu.memory_space<semaphore_mem>>)
      %dma_start3A_52 = arith.constant 0 : i32
      %dma_start3A_53 = tpu.memref_slice %arg4[%add3A, %add3A_40, %dma_start3A_52] : memref<32x80x128xi32, #tpu.memory_space<hbm>> -> memref<1x1x128xi32, #tpu.memory_space<hbm>>
      %dma_start3A_54 = tpu.memref_squeeze %dma_start3A_53 : memref<1x1x128xi32, #tpu.memory_space<hbm>> -> memref<128xi32, #tpu.memory_space<hbm>>
      %dma_start3A_55 = arith.constant 0 : i32
      %dma_start3A_56 = tpu.memref_slice %arg4[%add3A, %add3A_40, %dma_start3A_55] : memref<32x80x128xi32, #tpu.memory_space<hbm>> -> memref<1x1x128xi32, #tpu.memory_space<hbm>>
      %dma_start3A_57 = tpu.memref_squeeze %dma_start3A_56 : memref<1x1x128xi32, #tpu.memory_space<hbm>> -> memref<128xi32, #tpu.memory_space<hbm>>
      tpu.enqueue_dma source(%dma_start3A_57 : memref<128xi32, #tpu.memory_space<hbm>>) target(%arg10 : memref<128xi32, #tpu.memory_space<vmem>>) target_semaphore(%arg17 : memref<!tpu.dma_semaphore, #tpu.memory_space<semaphore_mem>>)
      %dma_wait3A_58 = arith.constant 0 : i32
      %dma_wait3A_59 = arith.constant 0 : i32
      %dma_wait3A_60 = tpu.memref_slice %arg2[%dma_wait3A_58, %dma_wait3A_59] : memref<10240x128xf32, #tpu.memory_space<hbm>> -> memref<10240x128xf32, #tpu.memory_space<hbm>>
      tpu.wait_indirect_dma semaphore(%arg15 : memref<!tpu.dma_semaphore, #tpu.memory_space<semaphore_mem>>) src(%dma_wait3A_60 : memref<10240x128xf32, #tpu.memory_space<hbm>>) dst(%arg12 : memref<128x128xf32, #tpu.memory_space<vmem>>)
      %dma_wait3A_61 = arith.constant 0 : i32
      %dma_wait3A_62 = tpu.memref_slice %arg3[%add3A, %add3A_40, %dma_wait3A_61] : memref<32x80x128xi32, #tpu.memory_space<hbm>> -> memref<1x1x128xi32, #tpu.memory_space<hbm>>
      %dma_wait3A_63 = tpu.memref_squeeze %dma_wait3A_62 : memref<1x1x128xi32, #tpu.memory_space<hbm>> -> memref<128xi32, #tpu.memory_space<hbm>>
      %dma_wait3A_64 = arith.constant 0 : i32
      %dma_wait3A_65 = tpu.memref_slice %arg3[%add3A, %add3A_40, %dma_wait3A_64] : memref<32x80x128xi32, #tpu.memory_space<hbm>> -> memref<1x1x128xi32, #tpu.memory_space<hbm>>
      %dma_wait3A_66 = tpu.memref_squeeze %dma_wait3A_65 : memref<1x1x128xi32, #tpu.memory_space<hbm>> -> memref<128xi32, #tpu.memory_space<hbm>>
      tpu.wait_dma2 semaphore(%arg17 : memref<!tpu.dma_semaphore, #tpu.memory_space<semaphore_mem>>) src(%dma_wait3A_66 : memref<128xi32, #tpu.memory_space<hbm>>) dst(%arg8 : memref<128xi32, #tpu.memory_space<vmem>>)
      %dma_wait3A_67 = arith.constant 0 : i32
      %dma_wait3A_68 = tpu.memref_slice %arg4[%add3A, %add3A_40, %dma_wait3A_67] : memref<32x80x128xi32, #tpu.memory_space<hbm>> -> memref<1x1x128xi32, #tpu.memory_space<hbm>>
      %dma_wait3A_69 = tpu.memref_squeeze %dma_wait3A_68 : memref<1x1x128xi32, #tpu.memory_space<hbm>> -> memref<128xi32, #tpu.memory_space<hbm>>
      %dma_wait3A_70 = arith.constant 0 : i32
      %dma_wait3A_71 = tpu.memref_slice %arg4[%add3A, %add3A_40, %dma_wait3A_70] : memref<32x80x128xi32, #tpu.memory_space<hbm>> -> memref<1x1x128xi32, #tpu.memory_space<hbm>>
      %dma_wait3A_72 = tpu.memref_squeeze %dma_wait3A_71 : memref<1x1x128xi32, #tpu.memory_space<hbm>> -> memref<128xi32, #tpu.memory_space<hbm>>
      tpu.wait_dma2 semaphore(%arg17 : memref<!tpu.dma_semaphore, #tpu.memory_space<semaphore_mem>>) src(%dma_wait3A_72 : memref<128xi32, #tpu.memory_space<hbm>>) dst(%arg10 : memref<128xi32, #tpu.memory_space<vmem>>)
      %dma_start3A_73 = arith.constant 0 : i32
      %dma_start3A_74 = arith.constant 0 : i32
      %dma_start3A_75 = tpu.memref_slice %arg2[%dma_start3A_73, %dma_start3A_74] : memref<10240x128xf32, #tpu.memory_space<hbm>> -> memref<10240x128xf32, #tpu.memory_space<hbm>>
      tpu.enqueue_indirect_dma source(%dma_start3A_75 : memref<10240x128xf32, #tpu.memory_space<hbm>>) target(%arg13 : memref<128x128xf32, #tpu.memory_space<vmem>>) offsets(%arg8 : memref<128xi32, #tpu.memory_space<vmem>>) semaphore(%arg16 : memref<!tpu.dma_semaphore, #tpu.memory_space<semaphore_mem>>)
      "tpu.region"() ({
        %run_scoped3A_107 = tpu.sem_alloc : memref<!tpu.dma_semaphore, #tpu.memory_space<semaphore_mem>>
        %dma_start3A_108 = arith.constant 0 : i32
        %dma_start3A_109 = arith.constant 0 : i32
        %dma_start3A_110 = tpu.memref_slice %arg14[%dma_start3A_108, %dma_start3A_109] : memref<10240x128xf32, #tpu.memory_space<vmem_shared>> -> memref<10240x128xf32, #tpu.memory_space<vmem_shared>>
        tpu.enqueue_indirect_dma source(%arg12 : memref<128x128xf32, #tpu.memory_space<vmem>>) target(%dma_start3A_110 : memref<10240x128xf32, #tpu.memory_space<vmem_shared>>) offsets(%arg9 : memref<128xi32, #tpu.memory_space<vmem>>) semaphore(%run_scoped3A_107 : memref<!tpu.dma_semaphore, #tpu.memory_space<semaphore_mem>>) {add = true}
        %dma_wait3A_111 = arith.constant 0 : i32
        %dma_wait3A_112 = arith.constant 0 : i32
        %dma_wait3A_113 = tpu.memref_slice %arg14[%dma_wait3A_111, %dma_wait3A_112] : memref<10240x128xf32, #tpu.memory_space<vmem_shared>> -> memref<10240x128xf32, #tpu.memory_space<vmem_shared>>
        tpu.wait_indirect_dma semaphore(%run_scoped3A_107 : memref<!tpu.dma_semaphore, #tpu.memory_space<semaphore_mem>>) src(%arg12 : memref<128x128xf32, #tpu.memory_space<vmem>>) dst(%dma_wait3A_113 : memref<10240x128xf32, #tpu.memory_space<vmem_shared>>)
        tpu.yield
      }) : () -> ()
      %dma_start3A_76 = arith.constant 0 : i32
      %dma_start3A_77 = tpu.memref_slice %arg3[%add3A, %rem3A_45, %dma_start3A_76] : memref<32x80x128xi32, #tpu.memory_space<hbm>> -> memref<1x1x128xi32, #tpu.memory_space<hbm>>
      %dma_start3A_78 = tpu.memref_squeeze %dma_start3A_77 : memref<1x1x128xi32, #tpu.memory_space<hbm>> -> memref<128xi32, #tpu.memory_space<hbm>>
      %dma_start3A_79 = arith.constant 0 : i32
      %dma_start3A_80 = tpu.memref_slice %arg3[%add3A, %rem3A_45, %dma_start3A_79] : memref<32x80x128xi32, #tpu.memory_space<hbm>> -> memref<1x1x128xi32, #tpu.memory_space<hbm>>
      %dma_start3A_81 = tpu.memref_squeeze %dma_start3A_80 : memref<1x1x128xi32, #tpu.memory_space<hbm>> -> memref<128xi32, #tpu.memory_space<hbm>>
      tpu.enqueue_dma source(%dma_start3A_81 : memref<128xi32, #tpu.memory_space<hbm>>) target(%arg7 : memref<128xi32, #tpu.memory_space<vmem>>) target_semaphore(%arg17 : memref<!tpu.dma_semaphore, #tpu.memory_space<semaphore_mem>>)
      %dma_start3A_82 = arith.constant 0 : i32
      %dma_start3A_83 = tpu.memref_slice %arg4[%add3A, %rem3A_45, %dma_start3A_82] : memref<32x80x128xi32, #tpu.memory_space<hbm>> -> memref<1x1x128xi32, #tpu.memory_space<hbm>>
      %dma_start3A_84 = tpu.memref_squeeze %dma_start3A_83 : memref<1x1x128xi32, #tpu.memory_space<hbm>> -> memref<128xi32, #tpu.memory_space<hbm>>
      %dma_start3A_85 = arith.constant 0 : i32
      %dma_start3A_86 = tpu.memref_slice %arg4[%add3A, %rem3A_45, %dma_start3A_85] : memref<32x80x128xi32, #tpu.memory_space<hbm>> -> memref<1x1x128xi32, #tpu.memory_space<hbm>>
      %dma_start3A_87 = tpu.memref_squeeze %dma_start3A_86 : memref<1x1x128xi32, #tpu.memory_space<hbm>> -> memref<128xi32, #tpu.memory_space<hbm>>
      tpu.enqueue_dma source(%dma_start3A_87 : memref<128xi32, #tpu.memory_space<hbm>>) target(%arg9 : memref<128xi32, #tpu.memory_space<vmem>>) target_semaphore(%arg17 : memref<!tpu.dma_semaphore, #tpu.memory_space<semaphore_mem>>)
      %dma_wait3A_88 = arith.constant 0 : i32
      %dma_wait3A_89 = arith.constant 0 : i32
      %dma_wait3A_90 = tpu.memref_slice %arg2[%dma_wait3A_88, %dma_wait3A_89] : memref<10240x128xf32, #tpu.memory_space<hbm>> -> memref<10240x128xf32, #tpu.memory_space<hbm>>
      tpu.wait_indirect_dma semaphore(%arg16 : memref<!tpu.dma_semaphore, #tpu.memory_space<semaphore_mem>>) src(%dma_wait3A_90 : memref<10240x128xf32, #tpu.memory_space<hbm>>) dst(%arg13 : memref<128x128xf32, #tpu.memory_space<vmem>>)
      %dma_wait3A_91 = arith.constant 0 : i32
      %dma_wait3A_92 = tpu.memref_slice %arg3[%add3A, %rem3A_45, %dma_wait3A_91] : memref<32x80x128xi32, #tpu.memory_space<hbm>> -> memref<1x1x128xi32, #tpu.memory_space<hbm>>
      %dma_wait3A_93 = tpu.memref_squeeze %dma_wait3A_92 : memref<1x1x128xi32, #tpu.memory_space<hbm>> -> memref<128xi32, #tpu.memory_space<hbm>>
      %dma_wait3A_94 = arith.constant 0 : i32
      %dma_wait3A_95 = tpu.memref_slice %arg3[%add3A, %rem3A_45, %dma_wait3A_94] : memref<32x80x128xi32, #tpu.memory_space<hbm>> -> memref<1x1x128xi32, #tpu.memory_space<hbm>>
      %dma_wait3A_96 = tpu.memref_squeeze %dma_wait3A_95 : memref<1x1x128xi32, #tpu.memory_space<hbm>> -> memref<128xi32, #tpu.memory_space<hbm>>
      tpu.wait_dma2 semaphore(%arg17 : memref<!tpu.dma_semaphore, #tpu.memory_space<semaphore_mem>>) src(%dma_wait3A_96 : memref<128xi32, #tpu.memory_space<hbm>>) dst(%arg7 : memref<128xi32, #tpu.memory_space<vmem>>)
      %dma_wait3A_97 = arith.constant 0 : i32
      %dma_wait3A_98 = tpu.memref_slice %arg4[%add3A, %rem3A_45, %dma_wait3A_97] : memref<32x80x128xi32, #tpu.memory_space<hbm>> -> memref<1x1x128xi32, #tpu.memory_space<hbm>>
      %dma_wait3A_99 = tpu.memref_squeeze %dma_wait3A_98 : memref<1x1x128xi32, #tpu.memory_space<hbm>> -> memref<128xi32, #tpu.memory_space<hbm>>
      %dma_wait3A_100 = arith.constant 0 : i32
      %dma_wait3A_101 = tpu.memref_slice %arg4[%add3A, %rem3A_45, %dma_wait3A_100] : memref<32x80x128xi32, #tpu.memory_space<hbm>> -> memref<1x1x128xi32, #tpu.memory_space<hbm>>
      %dma_wait3A_102 = tpu.memref_squeeze %dma_wait3A_101 : memref<1x1x128xi32, #tpu.memory_space<hbm>> -> memref<128xi32, #tpu.memory_space<hbm>>
      tpu.wait_dma2 semaphore(%arg17 : memref<!tpu.dma_semaphore, #tpu.memory_space<semaphore_mem>>) src(%dma_wait3A_102 : memref<128xi32, #tpu.memory_space<hbm>>) dst(%arg9 : memref<128xi32, #tpu.memory_space<vmem>>)
      %dma_start3A_103 = arith.constant 0 : i32
      %dma_start3A_104 = arith.constant 0 : i32
      %dma_start3A_105 = tpu.memref_slice %arg2[%dma_start3A_103, %dma_start3A_104] : memref<10240x128xf32, #tpu.memory_space<hbm>> -> memref<10240x128xf32, #tpu.memory_space<hbm>>
      tpu.enqueue_indirect_dma source(%dma_start3A_105 : memref<10240x128xf32, #tpu.memory_space<hbm>>) target(%arg12 : memref<128x128xf32, #tpu.memory_space<vmem>>) offsets(%arg7 : memref<128xi32, #tpu.memory_space<vmem>>) semaphore(%arg15 : memref<!tpu.dma_semaphore, #tpu.memory_space<semaphore_mem>>)
      "tpu.region"() ({
        %run_scoped3A_107 = tpu.sem_alloc : memref<!tpu.dma_semaphore, #tpu.memory_space<semaphore_mem>>
        %dma_start3A_108 = arith.constant 0 : i32
        %dma_start3A_109 = arith.constant 0 : i32
        %dma_start3A_110 = tpu.memref_slice %arg14[%dma_start3A_108, %dma_start3A_109] : memref<10240x128xf32, #tpu.memory_space<vmem_shared>> -> memref<10240x128xf32, #tpu.memory_space<vmem_shared>>
        tpu.enqueue_indirect_dma source(%arg13 : memref<128x128xf32, #tpu.memory_space<vmem>>) target(%dma_start3A_110 : memref<10240x128xf32, #tpu.memory_space<vmem_shared>>) offsets(%arg10 : memref<128xi32, #tpu.memory_space<vmem>>) semaphore(%run_scoped3A_107 : memref<!tpu.dma_semaphore, #tpu.memory_space<semaphore_mem>>) {add = true}
        %dma_wait3A_111 = arith.constant 0 : i32
        %dma_wait3A_112 = arith.constant 0 : i32
        %dma_wait3A_113 = tpu.memref_slice %arg14[%dma_wait3A_111, %dma_wait3A_112] : memref<10240x128xf32, #tpu.memory_space<vmem_shared>> -> memref<10240x128xf32, #tpu.memory_space<vmem_shared>>
        tpu.wait_indirect_dma semaphore(%run_scoped3A_107 : memref<!tpu.dma_semaphore, #tpu.memory_space<semaphore_mem>>) src(%arg13 : memref<128x128xf32, #tpu.memory_space<vmem>>) dst(%dma_wait3A_113 : memref<10240x128xf32, #tpu.memory_space<vmem_shared>>)
        tpu.yield
      }) : () -> ()
      %scan3A_106 = arith.constant 0 : i32
      scf.yield %scan3A_106 : i32
    }
    %scan3A_24 = arith.constant 40 : i32
    %dma_wait3A = arith.constant 0 : i32
    %dma_wait3A_25 = arith.constant 0 : i32
    %dma_wait3A_26 = tpu.memref_slice %arg2[%dma_wait3A, %dma_wait3A_25] : memref<10240x128xf32, #tpu.memory_space<hbm>> -> memref<10240x128xf32, #tpu.memory_space<hbm>>
    tpu.wait_indirect_dma semaphore(%arg15 : memref<!tpu.dma_semaphore, #tpu.memory_space<semaphore_mem>>) src(%dma_wait3A_26 : memref<10240x128xf32, #tpu.memory_space<hbm>>) dst(%arg12 : memref<128x128xf32, #tpu.memory_space<vmem>>)
    %barrier3A_27 = arith.constant 0 : index
    tpu.barrier barrier_id(%barrier3A_27)
    %scan3A_28 = arith.constant 0 : i32
    %scan3A_29 = arith.constant 0 : i32
    %scan3A_30 = arith.constant 5 : i32
    %scan3A_31 = arith.addi %scan3A_29, %scan3A_30 : i32
    %scan3A_32 = arith.constant 1 : i32
    %scan3A_33 = scf.for %scan3A_35 = %scan3A_29 to %scan3A_31 step %scan3A_32 iter_args(%scan3A_36 = %scan3A_28) -> (i32)  : i32 {
      %mul3A_37 = arith.constant 5 : i32
      %mul3A_38 = arith.muli %arg1, %mul3A_37 : i32
      %add3A_39 = arith.addi %mul3A_38, %scan3A_35 : i32
      "tpu.region"() ({
        %run_scoped3A_49 = tpu.sem_alloc : memref<!tpu.dma_semaphore, #tpu.memory_space<semaphore_mem>>
        %dma_start3A_50 = arith.constant 0 : i32
        %dma_start3A_51 = tpu.memref_slice %arg5[%add3A_39, %dma_start3A_50] : memref<80x128xi32, #tpu.memory_space<hbm>> -> memref<1x128xi32, #tpu.memory_space<hbm>>
        %dma_start3A_52 = tpu.memref_squeeze %dma_start3A_51 : memref<1x128xi32, #tpu.memory_space<hbm>> -> memref<128xi32, #tpu.memory_space<hbm>>
        %dma_start3A_53 = arith.constant 0 : i32
        %dma_start3A_54 = tpu.memref_slice %arg5[%add3A_39, %dma_start3A_53] : memref<80x128xi32, #tpu.memory_space<hbm>> -> memref<1x128xi32, #tpu.memory_space<hbm>>
        %dma_start3A_55 = tpu.memref_squeeze %dma_start3A_54 : memref<1x128xi32, #tpu.memory_space<hbm>> -> memref<128xi32, #tpu.memory_space<hbm>>
        tpu.enqueue_dma source(%dma_start3A_55 : memref<128xi32, #tpu.memory_space<hbm>>) target(%arg11 : memref<128xi32, #tpu.memory_space<vmem>>) target_semaphore(%run_scoped3A_49 : memref<!tpu.dma_semaphore, #tpu.memory_space<semaphore_mem>>)
        %dma_wait3A_56 = arith.constant 0 : i32
        %dma_wait3A_57 = tpu.memref_slice %arg5[%add3A_39, %dma_wait3A_56] : memref<80x128xi32, #tpu.memory_space<hbm>> -> memref<1x128xi32, #tpu.memory_space<hbm>>
        %dma_wait3A_58 = tpu.memref_squeeze %dma_wait3A_57 : memref<1x128xi32, #tpu.memory_space<hbm>> -> memref<128xi32, #tpu.memory_space<hbm>>
        %dma_wait3A_59 = arith.constant 0 : i32
        %dma_wait3A_60 = tpu.memref_slice %arg5[%add3A_39, %dma_wait3A_59] : memref<80x128xi32, #tpu.memory_space<hbm>> -> memref<1x128xi32, #tpu.memory_space<hbm>>
        %dma_wait3A_61 = tpu.memref_squeeze %dma_wait3A_60 : memref<1x128xi32, #tpu.memory_space<hbm>> -> memref<128xi32, #tpu.memory_space<hbm>>
        tpu.wait_dma2 semaphore(%run_scoped3A_49 : memref<!tpu.dma_semaphore, #tpu.memory_space<semaphore_mem>>) src(%dma_wait3A_61 : memref<128xi32, #tpu.memory_space<hbm>>) dst(%arg11 : memref<128xi32, #tpu.memory_space<vmem>>)
        tpu.yield
      }) : () -> ()
      %dma_start3A_40 = arith.constant 0 : i32
      %dma_start3A_41 = arith.constant 0 : i32
      %dma_start3A_42 = tpu.memref_slice %arg14[%dma_start3A_40, %dma_start3A_41] : memref<10240x128xf32, #tpu.memory_space<vmem_shared>> -> memref<10240x128xf32, #tpu.memory_space<vmem_shared>>
      tpu.enqueue_indirect_dma source(%dma_start3A_42 : memref<10240x128xf32, #tpu.memory_space<vmem_shared>>) target(%arg12 : memref<128x128xf32, #tpu.memory_space<vmem>>) offsets(%arg11 : memref<128xi32, #tpu.memory_space<vmem>>) semaphore(%arg15 : memref<!tpu.dma_semaphore, #tpu.memory_space<semaphore_mem>>)
      %dma_wait3A_43 = arith.constant 0 : i32
      %dma_wait3A_44 = arith.constant 0 : i32
      %dma_wait3A_45 = tpu.memref_slice %arg14[%dma_wait3A_43, %dma_wait3A_44] : memref<10240x128xf32, #tpu.memory_space<vmem_shared>> -> memref<10240x128xf32, #tpu.memory_space<vmem_shared>>
      tpu.wait_indirect_dma semaphore(%arg15 : memref<!tpu.dma_semaphore, #tpu.memory_space<semaphore_mem>>) src(%dma_wait3A_45 : memref<10240x128xf32, #tpu.memory_space<vmem_shared>>) dst(%arg12 : memref<128x128xf32, #tpu.memory_space<vmem>>)
      %mul3A_46 = arith.constant 128 : i32
      %mul3A_47 = arith.muli %add3A_39, %mul3A_46 : i32
      "tpu.region"() ({
        %run_scoped3A_49 = tpu.sem_alloc : memref<!tpu.dma_semaphore, #tpu.memory_space<semaphore_mem>>
        %dma_start3A_50 = arith.constant 0 : i32
        %dma_start3A_51 = tpu.memref_slice %arg6[%arg0, %mul3A_47, %dma_start3A_50] : memref<2x10240x128xf32, #tpu.memory_space<hbm>> -> memref<1x128x128xf32, #tpu.memory_space<hbm>>
        %dma_start3A_52 = tpu.memref_squeeze %dma_start3A_51 : memref<1x128x128xf32, #tpu.memory_space<hbm>> -> memref<128x128xf32, #tpu.memory_space<hbm>>
        %dma_start3A_53 = arith.constant 0 : i32
        %dma_start3A_54 = tpu.memref_slice %arg6[%arg0, %mul3A_47, %dma_start3A_53] : memref<2x10240x128xf32, #tpu.memory_space<hbm>> -> memref<1x128x128xf32, #tpu.memory_space<hbm>>
        %dma_start3A_55 = tpu.memref_squeeze %dma_start3A_54 : memref<1x128x128xf32, #tpu.memory_space<hbm>> -> memref<128x128xf32, #tpu.memory_space<hbm>>
        tpu.enqueue_dma source(%arg12 : memref<128x128xf32, #tpu.memory_space<vmem>>) target(%dma_start3A_55 : memref<128x128xf32, #tpu.memory_space<hbm>>) target_semaphore(%run_scoped3A_49 : memref<!tpu.dma_semaphore, #tpu.memory_space<semaphore_mem>>)
        %dma_wait3A_56 = arith.constant 0 : i32
        %dma_wait3A_57 = tpu.memref_slice %arg6[%arg0, %mul3A_47, %dma_wait3A_56] : memref<2x10240x128xf32, #tpu.memory_space<hbm>> -> memref<1x128x128xf32, #tpu.memory_space<hbm>>
        %dma_wait3A_58 = tpu.memref_squeeze %dma_wait3A_57 : memref<1x128x128xf32, #tpu.memory_space<hbm>> -> memref<128x128xf32, #tpu.memory_space<hbm>>
        %dma_wait3A_59 = arith.constant 0 : i32
        %dma_wait3A_60 = tpu.memref_slice %arg6[%arg0, %mul3A_47, %dma_wait3A_59] : memref<2x10240x128xf32, #tpu.memory_space<hbm>> -> memref<1x128x128xf32, #tpu.memory_space<hbm>>
        %dma_wait3A_61 = tpu.memref_squeeze %dma_wait3A_60 : memref<1x128x128xf32, #tpu.memory_space<hbm>> -> memref<128x128xf32, #tpu.memory_space<hbm>>
        tpu.wait_dma2 semaphore(%run_scoped3A_49 : memref<!tpu.dma_semaphore, #tpu.memory_space<semaphore_mem>>) src(%arg12 : memref<128x128xf32, #tpu.memory_space<vmem>>) dst(%dma_wait3A_61 : memref<128x128xf32, #tpu.memory_space<hbm>>)
        tpu.yield
      }) : () -> ()
      %scan3A_48 = arith.constant 0 : i32
      scf.yield %scan3A_48 : i32
    }
    %scan3A_34 = arith.constant 5 : i32
    return
  }
}

#map = affine_map<(d0, d1) -> (0, 0)>
module attributes {stable_mosaic.version = 14 : i64} {
  func.func @_deg_call(%arg0: i32, %arg1: i32, %arg2: memref<32x10240xi32, #tpu.memory_space<hbm>>, %arg3: memref<32x10240xf32, #tpu.memory_space<hbm>>, %arg4: memref<10240xi32, #tpu.memory_space<vmem>>, %arg5: memref<10240xf32, #tpu.memory_space<vmem>>) attributes {dimension_semantics = [#tpu.dimension_semantics<core_parallel>, #tpu.dimension_semantics<subcore_parallel>], iteration_bounds = array<i64: 2, 16>, scalar_prefetch = 0 : i64, scratch_operands = 2 : i64, tpu.core_type = #tpu.core_type<sc_vector_subcore>, window_params = [{transform_indices = #map}, {transform_indices = #map}]} {
    %mul3A = arith.constant 2 : i32
    %mul3A_0 = arith.muli %arg1, %mul3A : i32
    %add3A = arith.addi %mul3A_0, %arg0 : i32
    %broadcast_in_dim3A = arith.constant 0.000000e+00 : f32
    %broadcast_in_dim3A_1 = vector.broadcast %broadcast_in_dim3A : f32 to vector<16xf32>
    %broadcast_in_dim3A_2 = arith.constant 1.000000e+00 : f32
    %broadcast_in_dim3A_3 = vector.broadcast %broadcast_in_dim3A_2 : f32 to vector<16xf32>
    %scan3A = arith.constant 0 : i32
    %scan3A_4 = arith.constant 0 : i32
    %scan3A_5 = arith.constant 640 : i32
    %scan3A_6 = arith.addi %scan3A_4, %scan3A_5 : i32
    %scan3A_7 = arith.constant 1 : i32
    %scan3A_8 = scf.for %scan3A_17 = %scan3A_4 to %scan3A_6 step %scan3A_7 iter_args(%scan3A_18 = %scan3A) -> (i32)  : i32 {
      %mul3A_19 = arith.constant 16 : i32
      %mul3A_20 = arith.muli %scan3A_17, %mul3A_19 : i32
      %swap3A = arith.index_cast %mul3A_20 : i32 to index
      %swap3A_21 = tpu.vector_load %arg5[%swap3A] {strides = array<i32>} : memref<10240xf32, #tpu.memory_space<vmem>>, vector<16xf32>,
      tpu.vector_store %arg5[%swap3A], %broadcast_in_dim3A_1 {strides = array<i32>} : memref<10240xf32, #tpu.memory_space<vmem>>, vector<16xf32>,
      %scan3A_22 = arith.constant 0 : i32
      scf.yield %scan3A_22 : i32
    }
    %scan3A_9 = arith.constant 640 : i32
    "tpu.region"() ({
      %run_scoped3A = tpu.sem_alloc : memref<!tpu.dma_semaphore, #tpu.memory_space<semaphore_mem>>
      %dma_start3A = arith.constant 0 : i32
      %dma_start3A_17 = tpu.memref_slice %arg2[%add3A, %dma_start3A] : memref<32x10240xi32, #tpu.memory_space<hbm>> -> memref<1x10240xi32, #tpu.memory_space<hbm>>
      %dma_start3A_18 = tpu.memref_squeeze %dma_start3A_17 : memref<1x10240xi32, #tpu.memory_space<hbm>> -> memref<10240xi32, #tpu.memory_space<hbm>>
      %dma_start3A_19 = arith.constant 0 : i32
      %dma_start3A_20 = tpu.memref_slice %arg2[%add3A, %dma_start3A_19] : memref<32x10240xi32, #tpu.memory_space<hbm>> -> memref<1x10240xi32, #tpu.memory_space<hbm>>
      %dma_start3A_21 = tpu.memref_squeeze %dma_start3A_20 : memref<1x10240xi32, #tpu.memory_space<hbm>> -> memref<10240xi32, #tpu.memory_space<hbm>>
      tpu.enqueue_dma source(%dma_start3A_21 : memref<10240xi32, #tpu.memory_space<hbm>>) target(%arg4 : memref<10240xi32, #tpu.memory_space<vmem>>) target_semaphore(%run_scoped3A : memref<!tpu.dma_semaphore, #tpu.memory_space<semaphore_mem>>)
      %dma_wait3A = arith.constant 0 : i32
      %dma_wait3A_22 = tpu.memref_slice %arg2[%add3A, %dma_wait3A] : memref<32x10240xi32, #tpu.memory_space<hbm>> -> memref<1x10240xi32, #tpu.memory_space<hbm>>
      %dma_wait3A_23 = tpu.memref_squeeze %dma_wait3A_22 : memref<1x10240xi32, #tpu.memory_space<hbm>> -> memref<10240xi32, #tpu.memory_space<hbm>>
      %dma_wait3A_24 = arith.constant 0 : i32
      %dma_wait3A_25 = tpu.memref_slice %arg2[%add3A, %dma_wait3A_24] : memref<32x10240xi32, #tpu.memory_space<hbm>> -> memref<1x10240xi32, #tpu.memory_space<hbm>>
      %dma_wait3A_26 = tpu.memref_squeeze %dma_wait3A_25 : memref<1x10240xi32, #tpu.memory_space<hbm>> -> memref<10240xi32, #tpu.memory_space<hbm>>
      tpu.wait_dma2 semaphore(%run_scoped3A : memref<!tpu.dma_semaphore, #tpu.memory_space<semaphore_mem>>) src(%dma_wait3A_26 : memref<10240xi32, #tpu.memory_space<hbm>>) dst(%arg4 : memref<10240xi32, #tpu.memory_space<vmem>>)
      tpu.yield
    }) : () -> ()
    %scan3A_10 = arith.constant 0 : i32
    %scan3A_11 = arith.constant 0 : i32
    %scan3A_12 = arith.constant 640 : i32
    %scan3A_13 = arith.addi %scan3A_11, %scan3A_12 : i32
    %scan3A_14 = arith.constant 1 : i32
    %scan3A_15 = scf.for %scan3A_17 = %scan3A_11 to %scan3A_13 step %scan3A_14 iter_args(%scan3A_18 = %scan3A_10) -> (i32)  : i32 {
      %mul3A_19 = arith.constant 16 : i32
      %mul3A_20 = arith.muli %scan3A_17, %mul3A_19 : i32
      %get3A = arith.index_cast %mul3A_20 : i32 to index
      %get3A_21 = tpu.vector_load %arg4[%get3A] {strides = array<i32>} : memref<10240xi32, #tpu.memory_space<vmem>>, vector<16xi32>,
      tpu.vector_store_idx %arg5[%get3A_21], %broadcast_in_dim3A_3 {add = true} : memref<10240xf32, #tpu.memory_space<vmem>>[vector<16xi32>], vector<16xf32>,
      %scan3A_22 = arith.constant 0 : i32
      scf.yield %scan3A_22 : i32
    }
    %scan3A_16 = arith.constant 640 : i32
    "tpu.region"() ({
      %run_scoped3A = tpu.sem_alloc : memref<!tpu.dma_semaphore, #tpu.memory_space<semaphore_mem>>
      %dma_start3A = arith.constant 0 : i32
      %dma_start3A_17 = tpu.memref_slice %arg3[%add3A, %dma_start3A] : memref<32x10240xf32, #tpu.memory_space<hbm>> -> memref<1x10240xf32, #tpu.memory_space<hbm>>
      %dma_start3A_18 = tpu.memref_squeeze %dma_start3A_17 : memref<1x10240xf32, #tpu.memory_space<hbm>> -> memref<10240xf32, #tpu.memory_space<hbm>>
      %dma_start3A_19 = arith.constant 0 : i32
      %dma_start3A_20 = tpu.memref_slice %arg3[%add3A, %dma_start3A_19] : memref<32x10240xf32, #tpu.memory_space<hbm>> -> memref<1x10240xf32, #tpu.memory_space<hbm>>
      %dma_start3A_21 = tpu.memref_squeeze %dma_start3A_20 : memref<1x10240xf32, #tpu.memory_space<hbm>> -> memref<10240xf32, #tpu.memory_space<hbm>>
      tpu.enqueue_dma source(%arg5 : memref<10240xf32, #tpu.memory_space<vmem>>) target(%dma_start3A_21 : memref<10240xf32, #tpu.memory_space<hbm>>) target_semaphore(%run_scoped3A : memref<!tpu.dma_semaphore, #tpu.memory_space<semaphore_mem>>)
      %dma_wait3A = arith.constant 0 : i32
      %dma_wait3A_22 = tpu.memref_slice %arg3[%add3A, %dma_wait3A] : memref<32x10240xf32, #tpu.memory_space<hbm>> -> memref<1x10240xf32, #tpu.memory_space<hbm>>
      %dma_wait3A_23 = tpu.memref_squeeze %dma_wait3A_22 : memref<1x10240xf32, #tpu.memory_space<hbm>> -> memref<10240xf32, #tpu.memory_space<hbm>>
      %dma_wait3A_24 = arith.constant 0 : i32
      %dma_wait3A_25 = tpu.memref_slice %arg3[%add3A, %dma_wait3A_24] : memref<32x10240xf32, #tpu.memory_space<hbm>> -> memref<1x10240xf32, #tpu.memory_space<hbm>>
      %dma_wait3A_26 = tpu.memref_squeeze %dma_wait3A_25 : memref<1x10240xf32, #tpu.memory_space<hbm>> -> memref<10240xf32, #tpu.memory_space<hbm>>
      tpu.wait_dma2 semaphore(%run_scoped3A : memref<!tpu.dma_semaphore, #tpu.memory_space<semaphore_mem>>) src(%arg5 : memref<10240xf32, #tpu.memory_space<vmem>>) dst(%dma_wait3A_26 : memref<10240xf32, #tpu.memory_space<hbm>>)
      tpu.yield
    }) : () -> ()
    return
  }
}

#map = affine_map<(d0, d1) -> (0, 0)>
#map1 = affine_map<(d0, d1) -> (0, 0, 0)>
module attributes {stable_mosaic.version = 14 : i64} {
  func.func @_agg_call(%arg0: i32, %arg1: i32, %arg2: memref<10240x128xf32, #tpu.memory_space<hbm>>, %arg3: memref<32x80x128xi32, #tpu.memory_space<hbm>>, %arg4: memref<32x80x128xi32, #tpu.memory_space<hbm>>, %arg5: memref<80x128xi32, #tpu.memory_space<hbm>>, %arg6: memref<2x10240x128xf32, #tpu.memory_space<hbm>>, %arg7: memref<128xi32, #tpu.memory_space<vmem>>, %arg8: memref<128xi32, #tpu.memory_space<vmem>>, %arg9: memref<128xi32, #tpu.memory_space<vmem>>, %arg10: memref<128xi32, #tpu.memory_space<vmem>>, %arg11: memref<128xi32, #tpu.memory_space<vmem>>, %arg12: memref<128x128xf32, #tpu.memory_space<vmem>>, %arg13: memref<128x128xf32, #tpu.memory_space<vmem>>, %arg14: memref<10240x128xf32, #tpu.memory_space<vmem_shared>>, %arg15: memref<!tpu.dma_semaphore, #tpu.memory_space<semaphore_mem>>, %arg16: memref<!tpu.dma_semaphore, #tpu.memory_space<semaphore_mem>>, %arg17: memref<!tpu.dma_semaphore, #tpu.memory_space<semaphore_mem>>) attributes {dimension_semantics = [#tpu.dimension_semantics<core_parallel>, #tpu.dimension_semantics<subcore_parallel>], iteration_bounds = array<i64: 2, 16>, scalar_prefetch = 0 : i64, scratch_operands = 11 : i64, tpu.core_type = #tpu.core_type<sc_vector_subcore>, window_params = [{transform_indices = #map}, {transform_indices = #map1}, {transform_indices = #map1}, {transform_indices = #map}, {transform_indices = #map1}]} {
    %mul3A = arith.constant 2 : i32
    %mul3A_0 = arith.muli %arg1, %mul3A : i32
    %add3A = arith.addi %mul3A_0, %arg0 : i32
    %broadcast_in_dim3A = arith.constant 0.000000e+00 : f32
    %broadcast_in_dim3A_1 = vector.broadcast %broadcast_in_dim3A : f32 to vector<16xf32>
    %scan3A = arith.constant 0 : i32
    %scan3A_2 = arith.constant 0 : i32
    %scan3A_3 = arith.constant 128 : i32
    %scan3A_4 = arith.addi %scan3A_2, %scan3A_3 : i32
    %scan3A_5 = arith.constant 1 : i32
    %scan3A_6 = scf.for %scan3A_35 = %scan3A_2 to %scan3A_4 step %scan3A_5 iter_args(%scan3A_36 = %scan3A) -> (i32)  : i32 {
      %swap3A = arith.index_cast %scan3A_35 : i32 to index
      %swap3A_37 = arith.constant 0 : index
      %swap3A_38 = tpu.vector_load %arg12[%swap3A, %swap3A_37] {strides = array<i32>} : memref<128x128xf32, #tpu.memory_space<vmem>>, vector<1x16xf32>,
      %swap3A_39 = vector.shape_cast %swap3A_38 : vector<1x16xf32> to vector<16xf32>
      %swap3A_40 = vector.shape_cast %broadcast_in_dim3A_1 : vector<16xf32> to vector<1x16xf32>
      tpu.vector_store %arg12[%swap3A, %swap3A_37], %swap3A_40 {strides = array<i32>} : memref<128x128xf32, #tpu.memory_space<vmem>>, vector<1x16xf32>,
      %swap3A_41 = arith.index_cast %scan3A_35 : i32 to index
      %swap3A_42 = arith.constant 16 : index
      %swap3A_43 = tpu.vector_load %arg12[%swap3A_41, %swap3A_42] {strides = array<i32>} : memref<128x128xf32, #tpu.memory_space<vmem>>, vector<1x16xf32>,
      %swap3A_44 = vector.shape_cast %swap3A_43 : vector<1x16xf32> to vector<16xf32>
      %swap3A_45 = vector.shape_cast %broadcast_in_dim3A_1 : vector<16xf32> to vector<1x16xf32>
      tpu.vector_store %arg12[%swap3A_41, %swap3A_42], %swap3A_45 {strides = array<i32>} : memref<128x128xf32, #tpu.memory_space<vmem>>, vector<1x16xf32>,
      %swap3A_46 = arith.index_cast %scan3A_35 : i32 to index
      %swap3A_47 = arith.constant 32 : index
      %swap3A_48 = tpu.vector_load %arg12[%swap3A_46, %swap3A_47] {strides = array<i32>} : memref<128x128xf32, #tpu.memory_space<vmem>>, vector<1x16xf32>,
      %swap3A_49 = vector.shape_cast %swap3A_48 : vector<1x16xf32> to vector<16xf32>
      %swap3A_50 = vector.shape_cast %broadcast_in_dim3A_1 : vector<16xf32> to vector<1x16xf32>
      tpu.vector_store %arg12[%swap3A_46, %swap3A_47], %swap3A_50 {strides = array<i32>} : memref<128x128xf32, #tpu.memory_space<vmem>>, vector<1x16xf32>,
      %swap3A_51 = arith.index_cast %scan3A_35 : i32 to index
      %swap3A_52 = arith.constant 48 : index
      %swap3A_53 = tpu.vector_load %arg12[%swap3A_51, %swap3A_52] {strides = array<i32>} : memref<128x128xf32, #tpu.memory_space<vmem>>, vector<1x16xf32>,
      %swap3A_54 = vector.shape_cast %swap3A_53 : vector<1x16xf32> to vector<16xf32>
      %swap3A_55 = vector.shape_cast %broadcast_in_dim3A_1 : vector<16xf32> to vector<1x16xf32>
      tpu.vector_store %arg12[%swap3A_51, %swap3A_52], %swap3A_55 {strides = array<i32>} : memref<128x128xf32, #tpu.memory_space<vmem>>, vector<1x16xf32>,
      %swap3A_56 = arith.index_cast %scan3A_35 : i32 to index
      %swap3A_57 = arith.constant 64 : index
      %swap3A_58 = tpu.vector_load %arg12[%swap3A_56, %swap3A_57] {strides = array<i32>} : memref<128x128xf32, #tpu.memory_space<vmem>>, vector<1x16xf32>,
      %swap3A_59 = vector.shape_cast %swap3A_58 : vector<1x16xf32> to vector<16xf32>
      %swap3A_60 = vector.shape_cast %broadcast_in_dim3A_1 : vector<16xf32> to vector<1x16xf32>
      tpu.vector_store %arg12[%swap3A_56, %swap3A_57], %swap3A_60 {strides = array<i32>} : memref<128x128xf32, #tpu.memory_space<vmem>>, vector<1x16xf32>,
      %swap3A_61 = arith.index_cast %scan3A_35 : i32 to index
      %swap3A_62 = arith.constant 80 : index
      %swap3A_63 = tpu.vector_load %arg12[%swap3A_61, %swap3A_62] {strides = array<i32>} : memref<128x128xf32, #tpu.memory_space<vmem>>, vector<1x16xf32>,
      %swap3A_64 = vector.shape_cast %swap3A_63 : vector<1x16xf32> to vector<16xf32>
      %swap3A_65 = vector.shape_cast %broadcast_in_dim3A_1 : vector<16xf32> to vector<1x16xf32>
      tpu.vector_store %arg12[%swap3A_61, %swap3A_62], %swap3A_65 {strides = array<i32>} : memref<128x128xf32, #tpu.memory_space<vmem>>, vector<1x16xf32>,
      %swap3A_66 = arith.index_cast %scan3A_35 : i32 to index
      %swap3A_67 = arith.constant 96 : index
      %swap3A_68 = tpu.vector_load %arg12[%swap3A_66, %swap3A_67] {strides = array<i32>} : memref<128x128xf32, #tpu.memory_space<vmem>>, vector<1x16xf32>,
      %swap3A_69 = vector.shape_cast %swap3A_68 : vector<1x16xf32> to vector<16xf32>
      %swap3A_70 = vector.shape_cast %broadcast_in_dim3A_1 : vector<16xf32> to vector<1x16xf32>
      tpu.vector_store %arg12[%swap3A_66, %swap3A_67], %swap3A_70 {strides = array<i32>} : memref<128x128xf32, #tpu.memory_space<vmem>>, vector<1x16xf32>,
      %swap3A_71 = arith.index_cast %scan3A_35 : i32 to index
      %swap3A_72 = arith.constant 112 : index
      %swap3A_73 = tpu.vector_load %arg12[%swap3A_71, %swap3A_72] {strides = array<i32>} : memref<128x128xf32, #tpu.memory_space<vmem>>, vector<1x16xf32>,
      %swap3A_74 = vector.shape_cast %swap3A_73 : vector<1x16xf32> to vector<16xf32>
      %swap3A_75 = vector.shape_cast %broadcast_in_dim3A_1 : vector<16xf32> to vector<1x16xf32>
      tpu.vector_store %arg12[%swap3A_71, %swap3A_72], %swap3A_75 {strides = array<i32>} : memref<128x128xf32, #tpu.memory_space<vmem>>, vector<1x16xf32>,
      %scan3A_76 = arith.constant 0 : i32
      scf.yield %scan3A_76 : i32
    }
    %scan3A_7 = arith.constant 128 : i32
    %scan3A_8 = arith.constant 0 : i32
    %scan3A_9 = arith.constant 0 : i32
    %scan3A_10 = arith.constant 5 : i32
    %scan3A_11 = arith.addi %scan3A_9, %scan3A_10 : i32
    %scan3A_12 = arith.constant 1 : i32
    %scan3A_13 = scf.for %scan3A_35 = %scan3A_9 to %scan3A_11 step %scan3A_12 iter_args(%scan3A_36 = %scan3A_8) -> (i32)  : i32 {
      %mul3A_37 = arith.constant 5 : i32
      %mul3A_38 = arith.muli %arg1, %mul3A_37 : i32
      %add3A_39 = arith.addi %mul3A_38, %scan3A_35 : i32
      "tpu.region"() ({
        %run_scoped3A_41 = tpu.sem_alloc : memref<!tpu.dma_semaphore, #tpu.memory_space<semaphore_mem>>
        %dma_start3A_42 = arith.constant 0 : i32
        %dma_start3A_43 = tpu.memref_slice %arg5[%add3A_39, %dma_start3A_42] : memref<80x128xi32, #tpu.memory_space<hbm>> -> memref<1x128xi32, #tpu.memory_space<hbm>>
        %dma_start3A_44 = tpu.memref_squeeze %dma_start3A_43 : memref<1x128xi32, #tpu.memory_space<hbm>> -> memref<128xi32, #tpu.memory_space<hbm>>
        %dma_start3A_45 = arith.constant 0 : i32
        %dma_start3A_46 = tpu.memref_slice %arg5[%add3A_39, %dma_start3A_45] : memref<80x128xi32, #tpu.memory_space<hbm>> -> memref<1x128xi32, #tpu.memory_space<hbm>>
        %dma_start3A_47 = tpu.memref_squeeze %dma_start3A_46 : memref<1x128xi32, #tpu.memory_space<hbm>> -> memref<128xi32, #tpu.memory_space<hbm>>
        tpu.enqueue_dma source(%dma_start3A_47 : memref<128xi32, #tpu.memory_space<hbm>>) target(%arg11 : memref<128xi32, #tpu.memory_space<vmem>>) target_semaphore(%run_scoped3A_41 : memref<!tpu.dma_semaphore, #tpu.memory_space<semaphore_mem>>)
        %dma_wait3A_48 = arith.constant 0 : i32
        %dma_wait3A_49 = tpu.memref_slice %arg5[%add3A_39, %dma_wait3A_48] : memref<80x128xi32, #tpu.memory_space<hbm>> -> memref<1x128xi32, #tpu.memory_space<hbm>>
        %dma_wait3A_50 = tpu.memref_squeeze %dma_wait3A_49 : memref<1x128xi32, #tpu.memory_space<hbm>> -> memref<128xi32, #tpu.memory_space<hbm>>
        %dma_wait3A_51 = arith.constant 0 : i32
        %dma_wait3A_52 = tpu.memref_slice %arg5[%add3A_39, %dma_wait3A_51] : memref<80x128xi32, #tpu.memory_space<hbm>> -> memref<1x128xi32, #tpu.memory_space<hbm>>
        %dma_wait3A_53 = tpu.memref_squeeze %dma_wait3A_52 : memref<1x128xi32, #tpu.memory_space<hbm>> -> memref<128xi32, #tpu.memory_space<hbm>>
        tpu.wait_dma2 semaphore(%run_scoped3A_41 : memref<!tpu.dma_semaphore, #tpu.memory_space<semaphore_mem>>) src(%dma_wait3A_53 : memref<128xi32, #tpu.memory_space<hbm>>) dst(%arg11 : memref<128xi32, #tpu.memory_space<vmem>>)
        tpu.yield
      }) : () -> ()
      "tpu.region"() ({
        %run_scoped3A_41 = tpu.sem_alloc : memref<!tpu.dma_semaphore, #tpu.memory_space<semaphore_mem>>
        %dma_start3A_42 = arith.constant 0 : i32
        %dma_start3A_43 = arith.constant 0 : i32
        %dma_start3A_44 = tpu.memref_slice %arg14[%dma_start3A_42, %dma_start3A_43] : memref<10240x128xf32, #tpu.memory_space<vmem_shared>> -> memref<10240x128xf32, #tpu.memory_space<vmem_shared>>
        tpu.enqueue_indirect_dma source(%arg12 : memref<128x128xf32, #tpu.memory_space<vmem>>) target(%dma_start3A_44 : memref<10240x128xf32, #tpu.memory_space<vmem_shared>>) offsets(%arg11 : memref<128xi32, #tpu.memory_space<vmem>>) semaphore(%run_scoped3A_41 : memref<!tpu.dma_semaphore, #tpu.memory_space<semaphore_mem>>)
        %dma_wait3A_45 = arith.constant 0 : i32
        %dma_wait3A_46 = arith.constant 0 : i32
        %dma_wait3A_47 = tpu.memref_slice %arg14[%dma_wait3A_45, %dma_wait3A_46] : memref<10240x128xf32, #tpu.memory_space<vmem_shared>> -> memref<10240x128xf32, #tpu.memory_space<vmem_shared>>
        tpu.wait_indirect_dma semaphore(%run_scoped3A_41 : memref<!tpu.dma_semaphore, #tpu.memory_space<semaphore_mem>>) src(%arg12 : memref<128x128xf32, #tpu.memory_space<vmem>>) dst(%dma_wait3A_47 : memref<10240x128xf32, #tpu.memory_space<vmem_shared>>)
        tpu.yield
      }) : () -> ()
      %scan3A_40 = arith.constant 0 : i32
      scf.yield %scan3A_40 : i32
    }
    %scan3A_14 = arith.constant 5 : i32
    %barrier3A = arith.constant 0 : index
    tpu.barrier barrier_id(%barrier3A)
    %run_scoped3A = arith.constant 0 : i32
    "tpu.region"() ({
      %run_scoped3A_35 = tpu.sem_alloc : memref<!tpu.dma_semaphore, #tpu.memory_space<semaphore_mem>>
      %dma_start3A_36 = arith.constant 0 : i32
      %dma_start3A_37 = tpu.memref_slice %arg3[%add3A, %run_scoped3A, %dma_start3A_36] : memref<32x80x128xi32, #tpu.memory_space<hbm>> -> memref<1x1x128xi32, #tpu.memory_space<hbm>>
      %dma_start3A_38 = tpu.memref_squeeze %dma_start3A_37 : memref<1x1x128xi32, #tpu.memory_space<hbm>> -> memref<128xi32, #tpu.memory_space<hbm>>
      %dma_start3A_39 = arith.constant 0 : i32
      %dma_start3A_40 = tpu.memref_slice %arg3[%add3A, %run_scoped3A, %dma_start3A_39] : memref<32x80x128xi32, #tpu.memory_space<hbm>> -> memref<1x1x128xi32, #tpu.memory_space<hbm>>
      %dma_start3A_41 = tpu.memref_squeeze %dma_start3A_40 : memref<1x1x128xi32, #tpu.memory_space<hbm>> -> memref<128xi32, #tpu.memory_space<hbm>>
      tpu.enqueue_dma source(%dma_start3A_41 : memref<128xi32, #tpu.memory_space<hbm>>) target(%arg7 : memref<128xi32, #tpu.memory_space<vmem>>) target_semaphore(%run_scoped3A_35 : memref<!tpu.dma_semaphore, #tpu.memory_space<semaphore_mem>>)
      %dma_wait3A_42 = arith.constant 0 : i32
      %dma_wait3A_43 = tpu.memref_slice %arg3[%add3A, %run_scoped3A, %dma_wait3A_42] : memref<32x80x128xi32, #tpu.memory_space<hbm>> -> memref<1x1x128xi32, #tpu.memory_space<hbm>>
      %dma_wait3A_44 = tpu.memref_squeeze %dma_wait3A_43 : memref<1x1x128xi32, #tpu.memory_space<hbm>> -> memref<128xi32, #tpu.memory_space<hbm>>
      %dma_wait3A_45 = arith.constant 0 : i32
      %dma_wait3A_46 = tpu.memref_slice %arg3[%add3A, %run_scoped3A, %dma_wait3A_45] : memref<32x80x128xi32, #tpu.memory_space<hbm>> -> memref<1x1x128xi32, #tpu.memory_space<hbm>>
      %dma_wait3A_47 = tpu.memref_squeeze %dma_wait3A_46 : memref<1x1x128xi32, #tpu.memory_space<hbm>> -> memref<128xi32, #tpu.memory_space<hbm>>
      tpu.wait_dma2 semaphore(%run_scoped3A_35 : memref<!tpu.dma_semaphore, #tpu.memory_space<semaphore_mem>>) src(%dma_wait3A_47 : memref<128xi32, #tpu.memory_space<hbm>>) dst(%arg7 : memref<128xi32, #tpu.memory_space<vmem>>)
      tpu.yield
    }) : () -> ()
    %run_scoped3A_15 = arith.constant 0 : i32
    "tpu.region"() ({
      %run_scoped3A_35 = tpu.sem_alloc : memref<!tpu.dma_semaphore, #tpu.memory_space<semaphore_mem>>
      %dma_start3A_36 = arith.constant 0 : i32
      %dma_start3A_37 = tpu.memref_slice %arg4[%add3A, %run_scoped3A_15, %dma_start3A_36] : memref<32x80x128xi32, #tpu.memory_space<hbm>> -> memref<1x1x128xi32, #tpu.memory_space<hbm>>
      %dma_start3A_38 = tpu.memref_squeeze %dma_start3A_37 : memref<1x1x128xi32, #tpu.memory_space<hbm>> -> memref<128xi32, #tpu.memory_space<hbm>>
      %dma_start3A_39 = arith.constant 0 : i32
      %dma_start3A_40 = tpu.memref_slice %arg4[%add3A, %run_scoped3A_15, %dma_start3A_39] : memref<32x80x128xi32, #tpu.memory_space<hbm>> -> memref<1x1x128xi32, #tpu.memory_space<hbm>>
      %dma_start3A_41 = tpu.memref_squeeze %dma_start3A_40 : memref<1x1x128xi32, #tpu.memory_space<hbm>> -> memref<128xi32, #tpu.memory_space<hbm>>
      tpu.enqueue_dma source(%dma_start3A_41 : memref<128xi32, #tpu.memory_space<hbm>>) target(%arg9 : memref<128xi32, #tpu.memory_space<vmem>>) target_semaphore(%run_scoped3A_35 : memref<!tpu.dma_semaphore, #tpu.memory_space<semaphore_mem>>)
      %dma_wait3A_42 = arith.constant 0 : i32
      %dma_wait3A_43 = tpu.memref_slice %arg4[%add3A, %run_scoped3A_15, %dma_wait3A_42] : memref<32x80x128xi32, #tpu.memory_space<hbm>> -> memref<1x1x128xi32, #tpu.memory_space<hbm>>
      %dma_wait3A_44 = tpu.memref_squeeze %dma_wait3A_43 : memref<1x1x128xi32, #tpu.memory_space<hbm>> -> memref<128xi32, #tpu.memory_space<hbm>>
      %dma_wait3A_45 = arith.constant 0 : i32
      %dma_wait3A_46 = tpu.memref_slice %arg4[%add3A, %run_scoped3A_15, %dma_wait3A_45] : memref<32x80x128xi32, #tpu.memory_space<hbm>> -> memref<1x1x128xi32, #tpu.memory_space<hbm>>
      %dma_wait3A_47 = tpu.memref_squeeze %dma_wait3A_46 : memref<1x1x128xi32, #tpu.memory_space<hbm>> -> memref<128xi32, #tpu.memory_space<hbm>>
      tpu.wait_dma2 semaphore(%run_scoped3A_35 : memref<!tpu.dma_semaphore, #tpu.memory_space<semaphore_mem>>) src(%dma_wait3A_47 : memref<128xi32, #tpu.memory_space<hbm>>) dst(%arg9 : memref<128xi32, #tpu.memory_space<vmem>>)
      tpu.yield
    }) : () -> ()
    %dma_start3A = arith.constant 0 : i32
    %dma_start3A_16 = arith.constant 0 : i32
    %dma_start3A_17 = tpu.memref_slice %arg2[%dma_start3A, %dma_start3A_16] : memref<10240x128xf32, #tpu.memory_space<hbm>> -> memref<10240x128xf32, #tpu.memory_space<hbm>>
    tpu.enqueue_indirect_dma source(%dma_start3A_17 : memref<10240x128xf32, #tpu.memory_space<hbm>>) target(%arg12 : memref<128x128xf32, #tpu.memory_space<vmem>>) offsets(%arg7 : memref<128xi32, #tpu.memory_space<vmem>>) semaphore(%arg15 : memref<!tpu.dma_semaphore, #tpu.memory_space<semaphore_mem>>)
    %scan3A_18 = arith.constant 0 : i32
    %scan3A_19 = arith.constant 0 : i32
    %scan3A_20 = arith.constant 40 : i32
    %scan3A_21 = arith.addi %scan3A_19, %scan3A_20 : i32
    %scan3A_22 = arith.constant 1 : i32
    %scan3A_23 = scf.for %scan3A_35 = %scan3A_19 to %scan3A_21 step %scan3A_22 iter_args(%scan3A_36 = %scan3A_18) -> (i32)  : i32 {
      %mul3A_37 = arith.constant 2 : i32
      %mul3A_38 = arith.muli %mul3A_37, %scan3A_35 : i32
      %add3A_39 = arith.constant 1 : i32
      %add3A_40 = arith.addi %mul3A_38, %add3A_39 : i32
      %mul3A_41 = arith.constant 2 : i32
      %mul3A_42 = arith.muli %mul3A_41, %scan3A_35 : i32
      %add3A_43 = arith.constant 2 : i32
      %add3A_44 = arith.addi %mul3A_42, %add3A_43 : i32
      %rem3A = arith.constant 80 : i32
      %rem3A_45 = arith.remsi %add3A_44, %rem3A : i32
      %dma_start3A_46 = arith.constant 0 : i32
      %dma_start3A_47 = tpu.memref_slice %arg3[%add3A, %add3A_40, %dma_start3A_46] : memref<32x80x128xi32, #tpu.memory_space<hbm>> -> memref<1x1x128xi32, #tpu.memory_space<hbm>>
      %dma_start3A_48 = tpu.memref_squeeze %dma_start3A_47 : memref<1x1x128xi32, #tpu.memory_space<hbm>> -> memref<128xi32, #tpu.memory_space<hbm>>
      %dma_start3A_49 = arith.constant 0 : i32
      %dma_start3A_50 = tpu.memref_slice %arg3[%add3A, %add3A_40, %dma_start3A_49] : memref<32x80x128xi32, #tpu.memory_space<hbm>> -> memref<1x1x128xi32, #tpu.memory_space<hbm>>
      %dma_start3A_51 = tpu.memref_squeeze %dma_start3A_50 : memref<1x1x128xi32, #tpu.memory_space<hbm>> -> memref<128xi32, #tpu.memory_space<hbm>>
      tpu.enqueue_dma source(%dma_start3A_51 : memref<128xi32, #tpu.memory_space<hbm>>) target(%arg8 : memref<128xi32, #tpu.memory_space<vmem>>) target_semaphore(%arg17 : memref<!tpu.dma_semaphore, #tpu.memory_space<semaphore_mem>>)
      %dma_start3A_52 = arith.constant 0 : i32
      %dma_start3A_53 = tpu.memref_slice %arg4[%add3A, %add3A_40, %dma_start3A_52] : memref<32x80x128xi32, #tpu.memory_space<hbm>> -> memref<1x1x128xi32, #tpu.memory_space<hbm>>
      %dma_start3A_54 = tpu.memref_squeeze %dma_start3A_53 : memref<1x1x128xi32, #tpu.memory_space<hbm>> -> memref<128xi32, #tpu.memory_space<hbm>>
      %dma_start3A_55 = arith.constant 0 : i32
      %dma_start3A_56 = tpu.memref_slice %arg4[%add3A, %add3A_40, %dma_start3A_55] : memref<32x80x128xi32, #tpu.memory_space<hbm>> -> memref<1x1x128xi32, #tpu.memory_space<hbm>>
      %dma_start3A_57 = tpu.memref_squeeze %dma_start3A_56 : memref<1x1x128xi32, #tpu.memory_space<hbm>> -> memref<128xi32, #tpu.memory_space<hbm>>
      tpu.enqueue_dma source(%dma_start3A_57 : memref<128xi32, #tpu.memory_space<hbm>>) target(%arg10 : memref<128xi32, #tpu.memory_space<vmem>>) target_semaphore(%arg17 : memref<!tpu.dma_semaphore, #tpu.memory_space<semaphore_mem>>)
      %dma_wait3A_58 = arith.constant 0 : i32
      %dma_wait3A_59 = arith.constant 0 : i32
      %dma_wait3A_60 = tpu.memref_slice %arg2[%dma_wait3A_58, %dma_wait3A_59] : memref<10240x128xf32, #tpu.memory_space<hbm>> -> memref<10240x128xf32, #tpu.memory_space<hbm>>
      tpu.wait_indirect_dma semaphore(%arg15 : memref<!tpu.dma_semaphore, #tpu.memory_space<semaphore_mem>>) src(%dma_wait3A_60 : memref<10240x128xf32, #tpu.memory_space<hbm>>) dst(%arg12 : memref<128x128xf32, #tpu.memory_space<vmem>>)
      %dma_wait3A_61 = arith.constant 0 : i32
      %dma_wait3A_62 = tpu.memref_slice %arg3[%add3A, %add3A_40, %dma_wait3A_61] : memref<32x80x128xi32, #tpu.memory_space<hbm>> -> memref<1x1x128xi32, #tpu.memory_space<hbm>>
      %dma_wait3A_63 = tpu.memref_squeeze %dma_wait3A_62 : memref<1x1x128xi32, #tpu.memory_space<hbm>> -> memref<128xi32, #tpu.memory_space<hbm>>
      %dma_wait3A_64 = arith.constant 0 : i32
      %dma_wait3A_65 = tpu.memref_slice %arg3[%add3A, %add3A_40, %dma_wait3A_64] : memref<32x80x128xi32, #tpu.memory_space<hbm>> -> memref<1x1x128xi32, #tpu.memory_space<hbm>>
      %dma_wait3A_66 = tpu.memref_squeeze %dma_wait3A_65 : memref<1x1x128xi32, #tpu.memory_space<hbm>> -> memref<128xi32, #tpu.memory_space<hbm>>
      tpu.wait_dma2 semaphore(%arg17 : memref<!tpu.dma_semaphore, #tpu.memory_space<semaphore_mem>>) src(%dma_wait3A_66 : memref<128xi32, #tpu.memory_space<hbm>>) dst(%arg8 : memref<128xi32, #tpu.memory_space<vmem>>)
      %dma_wait3A_67 = arith.constant 0 : i32
      %dma_wait3A_68 = tpu.memref_slice %arg4[%add3A, %add3A_40, %dma_wait3A_67] : memref<32x80x128xi32, #tpu.memory_space<hbm>> -> memref<1x1x128xi32, #tpu.memory_space<hbm>>
      %dma_wait3A_69 = tpu.memref_squeeze %dma_wait3A_68 : memref<1x1x128xi32, #tpu.memory_space<hbm>> -> memref<128xi32, #tpu.memory_space<hbm>>
      %dma_wait3A_70 = arith.constant 0 : i32
      %dma_wait3A_71 = tpu.memref_slice %arg4[%add3A, %add3A_40, %dma_wait3A_70] : memref<32x80x128xi32, #tpu.memory_space<hbm>> -> memref<1x1x128xi32, #tpu.memory_space<hbm>>
      %dma_wait3A_72 = tpu.memref_squeeze %dma_wait3A_71 : memref<1x1x128xi32, #tpu.memory_space<hbm>> -> memref<128xi32, #tpu.memory_space<hbm>>
      tpu.wait_dma2 semaphore(%arg17 : memref<!tpu.dma_semaphore, #tpu.memory_space<semaphore_mem>>) src(%dma_wait3A_72 : memref<128xi32, #tpu.memory_space<hbm>>) dst(%arg10 : memref<128xi32, #tpu.memory_space<vmem>>)
      %dma_start3A_73 = arith.constant 0 : i32
      %dma_start3A_74 = arith.constant 0 : i32
      %dma_start3A_75 = tpu.memref_slice %arg2[%dma_start3A_73, %dma_start3A_74] : memref<10240x128xf32, #tpu.memory_space<hbm>> -> memref<10240x128xf32, #tpu.memory_space<hbm>>
      tpu.enqueue_indirect_dma source(%dma_start3A_75 : memref<10240x128xf32, #tpu.memory_space<hbm>>) target(%arg13 : memref<128x128xf32, #tpu.memory_space<vmem>>) offsets(%arg8 : memref<128xi32, #tpu.memory_space<vmem>>) semaphore(%arg16 : memref<!tpu.dma_semaphore, #tpu.memory_space<semaphore_mem>>)
      "tpu.region"() ({
        %run_scoped3A_107 = tpu.sem_alloc : memref<!tpu.dma_semaphore, #tpu.memory_space<semaphore_mem>>
        %dma_start3A_108 = arith.constant 0 : i32
        %dma_start3A_109 = arith.constant 0 : i32
        %dma_start3A_110 = tpu.memref_slice %arg14[%dma_start3A_108, %dma_start3A_109] : memref<10240x128xf32, #tpu.memory_space<vmem_shared>> -> memref<10240x128xf32, #tpu.memory_space<vmem_shared>>
        tpu.enqueue_indirect_dma source(%arg12 : memref<128x128xf32, #tpu.memory_space<vmem>>) target(%dma_start3A_110 : memref<10240x128xf32, #tpu.memory_space<vmem_shared>>) offsets(%arg9 : memref<128xi32, #tpu.memory_space<vmem>>) semaphore(%run_scoped3A_107 : memref<!tpu.dma_semaphore, #tpu.memory_space<semaphore_mem>>) {add = true}
        %dma_wait3A_111 = arith.constant 0 : i32
        %dma_wait3A_112 = arith.constant 0 : i32
        %dma_wait3A_113 = tpu.memref_slice %arg14[%dma_wait3A_111, %dma_wait3A_112] : memref<10240x128xf32, #tpu.memory_space<vmem_shared>> -> memref<10240x128xf32, #tpu.memory_space<vmem_shared>>
        tpu.wait_indirect_dma semaphore(%run_scoped3A_107 : memref<!tpu.dma_semaphore, #tpu.memory_space<semaphore_mem>>) src(%arg12 : memref<128x128xf32, #tpu.memory_space<vmem>>) dst(%dma_wait3A_113 : memref<10240x128xf32, #tpu.memory_space<vmem_shared>>)
        tpu.yield
      }) : () -> ()
      %dma_start3A_76 = arith.constant 0 : i32
      %dma_start3A_77 = tpu.memref_slice %arg3[%add3A, %rem3A_45, %dma_start3A_76] : memref<32x80x128xi32, #tpu.memory_space<hbm>> -> memref<1x1x128xi32, #tpu.memory_space<hbm>>
      %dma_start3A_78 = tpu.memref_squeeze %dma_start3A_77 : memref<1x1x128xi32, #tpu.memory_space<hbm>> -> memref<128xi32, #tpu.memory_space<hbm>>
      %dma_start3A_79 = arith.constant 0 : i32
      %dma_start3A_80 = tpu.memref_slice %arg3[%add3A, %rem3A_45, %dma_start3A_79] : memref<32x80x128xi32, #tpu.memory_space<hbm>> -> memref<1x1x128xi32, #tpu.memory_space<hbm>>
      %dma_start3A_81 = tpu.memref_squeeze %dma_start3A_80 : memref<1x1x128xi32, #tpu.memory_space<hbm>> -> memref<128xi32, #tpu.memory_space<hbm>>
      tpu.enqueue_dma source(%dma_start3A_81 : memref<128xi32, #tpu.memory_space<hbm>>) target(%arg7 : memref<128xi32, #tpu.memory_space<vmem>>) target_semaphore(%arg17 : memref<!tpu.dma_semaphore, #tpu.memory_space<semaphore_mem>>)
      %dma_start3A_82 = arith.constant 0 : i32
      %dma_start3A_83 = tpu.memref_slice %arg4[%add3A, %rem3A_45, %dma_start3A_82] : memref<32x80x128xi32, #tpu.memory_space<hbm>> -> memref<1x1x128xi32, #tpu.memory_space<hbm>>
      %dma_start3A_84 = tpu.memref_squeeze %dma_start3A_83 : memref<1x1x128xi32, #tpu.memory_space<hbm>> -> memref<128xi32, #tpu.memory_space<hbm>>
      %dma_start3A_85 = arith.constant 0 : i32
      %dma_start3A_86 = tpu.memref_slice %arg4[%add3A, %rem3A_45, %dma_start3A_85] : memref<32x80x128xi32, #tpu.memory_space<hbm>> -> memref<1x1x128xi32, #tpu.memory_space<hbm>>
      %dma_start3A_87 = tpu.memref_squeeze %dma_start3A_86 : memref<1x1x128xi32, #tpu.memory_space<hbm>> -> memref<128xi32, #tpu.memory_space<hbm>>
      tpu.enqueue_dma source(%dma_start3A_87 : memref<128xi32, #tpu.memory_space<hbm>>) target(%arg9 : memref<128xi32, #tpu.memory_space<vmem>>) target_semaphore(%arg17 : memref<!tpu.dma_semaphore, #tpu.memory_space<semaphore_mem>>)
      %dma_wait3A_88 = arith.constant 0 : i32
      %dma_wait3A_89 = arith.constant 0 : i32
      %dma_wait3A_90 = tpu.memref_slice %arg2[%dma_wait3A_88, %dma_wait3A_89] : memref<10240x128xf32, #tpu.memory_space<hbm>> -> memref<10240x128xf32, #tpu.memory_space<hbm>>
      tpu.wait_indirect_dma semaphore(%arg16 : memref<!tpu.dma_semaphore, #tpu.memory_space<semaphore_mem>>) src(%dma_wait3A_90 : memref<10240x128xf32, #tpu.memory_space<hbm>>) dst(%arg13 : memref<128x128xf32, #tpu.memory_space<vmem>>)
      %dma_wait3A_91 = arith.constant 0 : i32
      %dma_wait3A_92 = tpu.memref_slice %arg3[%add3A, %rem3A_45, %dma_wait3A_91] : memref<32x80x128xi32, #tpu.memory_space<hbm>> -> memref<1x1x128xi32, #tpu.memory_space<hbm>>
      %dma_wait3A_93 = tpu.memref_squeeze %dma_wait3A_92 : memref<1x1x128xi32, #tpu.memory_space<hbm>> -> memref<128xi32, #tpu.memory_space<hbm>>
      %dma_wait3A_94 = arith.constant 0 : i32
      %dma_wait3A_95 = tpu.memref_slice %arg3[%add3A, %rem3A_45, %dma_wait3A_94] : memref<32x80x128xi32, #tpu.memory_space<hbm>> -> memref<1x1x128xi32, #tpu.memory_space<hbm>>
      %dma_wait3A_96 = tpu.memref_squeeze %dma_wait3A_95 : memref<1x1x128xi32, #tpu.memory_space<hbm>> -> memref<128xi32, #tpu.memory_space<hbm>>
      tpu.wait_dma2 semaphore(%arg17 : memref<!tpu.dma_semaphore, #tpu.memory_space<semaphore_mem>>) src(%dma_wait3A_96 : memref<128xi32, #tpu.memory_space<hbm>>) dst(%arg7 : memref<128xi32, #tpu.memory_space<vmem>>)
      %dma_wait3A_97 = arith.constant 0 : i32
      %dma_wait3A_98 = tpu.memref_slice %arg4[%add3A, %rem3A_45, %dma_wait3A_97] : memref<32x80x128xi32, #tpu.memory_space<hbm>> -> memref<1x1x128xi32, #tpu.memory_space<hbm>>
      %dma_wait3A_99 = tpu.memref_squeeze %dma_wait3A_98 : memref<1x1x128xi32, #tpu.memory_space<hbm>> -> memref<128xi32, #tpu.memory_space<hbm>>
      %dma_wait3A_100 = arith.constant 0 : i32
      %dma_wait3A_101 = tpu.memref_slice %arg4[%add3A, %rem3A_45, %dma_wait3A_100] : memref<32x80x128xi32, #tpu.memory_space<hbm>> -> memref<1x1x128xi32, #tpu.memory_space<hbm>>
      %dma_wait3A_102 = tpu.memref_squeeze %dma_wait3A_101 : memref<1x1x128xi32, #tpu.memory_space<hbm>> -> memref<128xi32, #tpu.memory_space<hbm>>
      tpu.wait_dma2 semaphore(%arg17 : memref<!tpu.dma_semaphore, #tpu.memory_space<semaphore_mem>>) src(%dma_wait3A_102 : memref<128xi32, #tpu.memory_space<hbm>>) dst(%arg9 : memref<128xi32, #tpu.memory_space<vmem>>)
      %dma_start3A_103 = arith.constant 0 : i32
      %dma_start3A_104 = arith.constant 0 : i32
      %dma_start3A_105 = tpu.memref_slice %arg2[%dma_start3A_103, %dma_start3A_104] : memref<10240x128xf32, #tpu.memory_space<hbm>> -> memref<10240x128xf32, #tpu.memory_space<hbm>>
      tpu.enqueue_indirect_dma source(%dma_start3A_105 : memref<10240x128xf32, #tpu.memory_space<hbm>>) target(%arg12 : memref<128x128xf32, #tpu.memory_space<vmem>>) offsets(%arg7 : memref<128xi32, #tpu.memory_space<vmem>>) semaphore(%arg15 : memref<!tpu.dma_semaphore, #tpu.memory_space<semaphore_mem>>)
      "tpu.region"() ({
        %run_scoped3A_107 = tpu.sem_alloc : memref<!tpu.dma_semaphore, #tpu.memory_space<semaphore_mem>>
        %dma_start3A_108 = arith.constant 0 : i32
        %dma_start3A_109 = arith.constant 0 : i32
        %dma_start3A_110 = tpu.memref_slice %arg14[%dma_start3A_108, %dma_start3A_109] : memref<10240x128xf32, #tpu.memory_space<vmem_shared>> -> memref<10240x128xf32, #tpu.memory_space<vmem_shared>>
        tpu.enqueue_indirect_dma source(%arg13 : memref<128x128xf32, #tpu.memory_space<vmem>>) target(%dma_start3A_110 : memref<10240x128xf32, #tpu.memory_space<vmem_shared>>) offsets(%arg10 : memref<128xi32, #tpu.memory_space<vmem>>) semaphore(%run_scoped3A_107 : memref<!tpu.dma_semaphore, #tpu.memory_space<semaphore_mem>>) {add = true}
        %dma_wait3A_111 = arith.constant 0 : i32
        %dma_wait3A_112 = arith.constant 0 : i32
        %dma_wait3A_113 = tpu.memref_slice %arg14[%dma_wait3A_111, %dma_wait3A_112] : memref<10240x128xf32, #tpu.memory_space<vmem_shared>> -> memref<10240x128xf32, #tpu.memory_space<vmem_shared>>
        tpu.wait_indirect_dma semaphore(%run_scoped3A_107 : memref<!tpu.dma_semaphore, #tpu.memory_space<semaphore_mem>>) src(%arg13 : memref<128x128xf32, #tpu.memory_space<vmem>>) dst(%dma_wait3A_113 : memref<10240x128xf32, #tpu.memory_space<vmem_shared>>)
        tpu.yield
      }) : () -> ()
      %scan3A_106 = arith.constant 0 : i32
      scf.yield %scan3A_106 : i32
    }
    %scan3A_24 = arith.constant 40 : i32
    %dma_wait3A = arith.constant 0 : i32
    %dma_wait3A_25 = arith.constant 0 : i32
    %dma_wait3A_26 = tpu.memref_slice %arg2[%dma_wait3A, %dma_wait3A_25] : memref<10240x128xf32, #tpu.memory_space<hbm>> -> memref<10240x128xf32, #tpu.memory_space<hbm>>
    tpu.wait_indirect_dma semaphore(%arg15 : memref<!tpu.dma_semaphore, #tpu.memory_space<semaphore_mem>>) src(%dma_wait3A_26 : memref<10240x128xf32, #tpu.memory_space<hbm>>) dst(%arg12 : memref<128x128xf32, #tpu.memory_space<vmem>>)
    %barrier3A_27 = arith.constant 0 : index
    tpu.barrier barrier_id(%barrier3A_27)
    %scan3A_28 = arith.constant 0 : i32
    %scan3A_29 = arith.constant 0 : i32
    %scan3A_30 = arith.constant 5 : i32
    %scan3A_31 = arith.addi %scan3A_29, %scan3A_30 : i32
    %scan3A_32 = arith.constant 1 : i32
    %scan3A_33 = scf.for %scan3A_35 = %scan3A_29 to %scan3A_31 step %scan3A_32 iter_args(%scan3A_36 = %scan3A_28) -> (i32)  : i32 {
      %mul3A_37 = arith.constant 5 : i32
      %mul3A_38 = arith.muli %arg1, %mul3A_37 : i32
      %add3A_39 = arith.addi %mul3A_38, %scan3A_35 : i32
      "tpu.region"() ({
        %run_scoped3A_49 = tpu.sem_alloc : memref<!tpu.dma_semaphore, #tpu.memory_space<semaphore_mem>>
        %dma_start3A_50 = arith.constant 0 : i32
        %dma_start3A_51 = tpu.memref_slice %arg5[%add3A_39, %dma_start3A_50] : memref<80x128xi32, #tpu.memory_space<hbm>> -> memref<1x128xi32, #tpu.memory_space<hbm>>
        %dma_start3A_52 = tpu.memref_squeeze %dma_start3A_51 : memref<1x128xi32, #tpu.memory_space<hbm>> -> memref<128xi32, #tpu.memory_space<hbm>>
        %dma_start3A_53 = arith.constant 0 : i32
        %dma_start3A_54 = tpu.memref_slice %arg5[%add3A_39, %dma_start3A_53] : memref<80x128xi32, #tpu.memory_space<hbm>> -> memref<1x128xi32, #tpu.memory_space<hbm>>
        %dma_start3A_55 = tpu.memref_squeeze %dma_start3A_54 : memref<1x128xi32, #tpu.memory_space<hbm>> -> memref<128xi32, #tpu.memory_space<hbm>>
        tpu.enqueue_dma source(%dma_start3A_55 : memref<128xi32, #tpu.memory_space<hbm>>) target(%arg11 : memref<128xi32, #tpu.memory_space<vmem>>) target_semaphore(%run_scoped3A_49 : memref<!tpu.dma_semaphore, #tpu.memory_space<semaphore_mem>>)
        %dma_wait3A_56 = arith.constant 0 : i32
        %dma_wait3A_57 = tpu.memref_slice %arg5[%add3A_39, %dma_wait3A_56] : memref<80x128xi32, #tpu.memory_space<hbm>> -> memref<1x128xi32, #tpu.memory_space<hbm>>
        %dma_wait3A_58 = tpu.memref_squeeze %dma_wait3A_57 : memref<1x128xi32, #tpu.memory_space<hbm>> -> memref<128xi32, #tpu.memory_space<hbm>>
        %dma_wait3A_59 = arith.constant 0 : i32
        %dma_wait3A_60 = tpu.memref_slice %arg5[%add3A_39, %dma_wait3A_59] : memref<80x128xi32, #tpu.memory_space<hbm>> -> memref<1x128xi32, #tpu.memory_space<hbm>>
        %dma_wait3A_61 = tpu.memref_squeeze %dma_wait3A_60 : memref<1x128xi32, #tpu.memory_space<hbm>> -> memref<128xi32, #tpu.memory_space<hbm>>
        tpu.wait_dma2 semaphore(%run_scoped3A_49 : memref<!tpu.dma_semaphore, #tpu.memory_space<semaphore_mem>>) src(%dma_wait3A_61 : memref<128xi32, #tpu.memory_space<hbm>>) dst(%arg11 : memref<128xi32, #tpu.memory_space<vmem>>)
        tpu.yield
      }) : () -> ()
      %dma_start3A_40 = arith.constant 0 : i32
      %dma_start3A_41 = arith.constant 0 : i32
      %dma_start3A_42 = tpu.memref_slice %arg14[%dma_start3A_40, %dma_start3A_41] : memref<10240x128xf32, #tpu.memory_space<vmem_shared>> -> memref<10240x128xf32, #tpu.memory_space<vmem_shared>>
      tpu.enqueue_indirect_dma source(%dma_start3A_42 : memref<10240x128xf32, #tpu.memory_space<vmem_shared>>) target(%arg12 : memref<128x128xf32, #tpu.memory_space<vmem>>) offsets(%arg11 : memref<128xi32, #tpu.memory_space<vmem>>) semaphore(%arg15 : memref<!tpu.dma_semaphore, #tpu.memory_space<semaphore_mem>>)
      %dma_wait3A_43 = arith.constant 0 : i32
      %dma_wait3A_44 = arith.constant 0 : i32
      %dma_wait3A_45 = tpu.memref_slice %arg14[%dma_wait3A_43, %dma_wait3A_44] : memref<10240x128xf32, #tpu.memory_space<vmem_shared>> -> memref<10240x128xf32, #tpu.memory_space<vmem_shared>>
      tpu.wait_indirect_dma semaphore(%arg15 : memref<!tpu.dma_semaphore, #tpu.memory_space<semaphore_mem>>) src(%dma_wait3A_45 : memref<10240x128xf32, #tpu.memory_space<vmem_shared>>) dst(%arg12 : memref<128x128xf32, #tpu.memory_space<vmem>>)
      %mul3A_46 = arith.constant 128 : i32
      %mul3A_47 = arith.muli %add3A_39, %mul3A_46 : i32
      "tpu.region"() ({
        %run_scoped3A_49 = tpu.sem_alloc : memref<!tpu.dma_semaphore, #tpu.memory_space<semaphore_mem>>
        %dma_start3A_50 = arith.constant 0 : i32
        %dma_start3A_51 = tpu.memref_slice %arg6[%arg0, %mul3A_47, %dma_start3A_50] : memref<2x10240x128xf32, #tpu.memory_space<hbm>> -> memref<1x128x128xf32, #tpu.memory_space<hbm>>
        %dma_start3A_52 = tpu.memref_squeeze %dma_start3A_51 : memref<1x128x128xf32, #tpu.memory_space<hbm>> -> memref<128x128xf32, #tpu.memory_space<hbm>>
        %dma_start3A_53 = arith.constant 0 : i32
        %dma_start3A_54 = tpu.memref_slice %arg6[%arg0, %mul3A_47, %dma_start3A_53] : memref<2x10240x128xf32, #tpu.memory_space<hbm>> -> memref<1x128x128xf32, #tpu.memory_space<hbm>>
        %dma_start3A_55 = tpu.memref_squeeze %dma_start3A_54 : memref<1x128x128xf32, #tpu.memory_space<hbm>> -> memref<128x128xf32, #tpu.memory_space<hbm>>
        tpu.enqueue_dma source(%arg12 : memref<128x128xf32, #tpu.memory_space<vmem>>) target(%dma_start3A_55 : memref<128x128xf32, #tpu.memory_space<hbm>>) target_semaphore(%run_scoped3A_49 : memref<!tpu.dma_semaphore, #tpu.memory_space<semaphore_mem>>)
        %dma_wait3A_56 = arith.constant 0 : i32
        %dma_wait3A_57 = tpu.memref_slice %arg6[%arg0, %mul3A_47, %dma_wait3A_56] : memref<2x10240x128xf32, #tpu.memory_space<hbm>> -> memref<1x128x128xf32, #tpu.memory_space<hbm>>
        %dma_wait3A_58 = tpu.memref_squeeze %dma_wait3A_57 : memref<1x128x128xf32, #tpu.memory_space<hbm>> -> memref<128x128xf32, #tpu.memory_space<hbm>>
        %dma_wait3A_59 = arith.constant 0 : i32
        %dma_wait3A_60 = tpu.memref_slice %arg6[%arg0, %mul3A_47, %dma_wait3A_59] : memref<2x10240x128xf32, #tpu.memory_space<hbm>> -> memref<1x128x128xf32, #tpu.memory_space<hbm>>
        %dma_wait3A_61 = tpu.memref_squeeze %dma_wait3A_60 : memref<1x128x128xf32, #tpu.memory_space<hbm>> -> memref<128x128xf32, #tpu.memory_space<hbm>>
        tpu.wait_dma2 semaphore(%run_scoped3A_49 : memref<!tpu.dma_semaphore, #tpu.memory_space<semaphore_mem>>) src(%arg12 : memref<128x128xf32, #tpu.memory_space<vmem>>) dst(%dma_wait3A_61 : memref<128x128xf32, #tpu.memory_space<hbm>>)
        tpu.yield
      }) : () -> ()
      %scan3A_48 = arith.constant 0 : i32
      scf.yield %scan3A_48 : i32
    }
    %scan3A_34 = arith.constant 5 : i32
    return
  }
}

module attributes {stable_mosaic.version = 14 : i64} {
  func.func @_scale_mm_body(%arg0: i32, %arg1: memref<1280x128xf32, #tpu.memory_space<vmem>>, %arg2: memref<128x128xf32, #tpu.memory_space<vmem>>, %arg3: memref<1280x32xf32, #tpu.memory_space<vmem>>, %arg4: memref<1280x128xf32, #tpu.memory_space<vmem>>) attributes {dimension_semantics = [#tpu.dimension_semantics<arbitrary>], iteration_bounds = array<i64: 8>, scalar_prefetch = 0 : i64, scratch_operands = 0 : i64, tpu.core_type = #tpu.core_type<tc>, window_params = [{transform_indices = @transform_0, window_bounds = array<i64: 1280, 128>}, {pipeline_mode = #tpu.pipeline_mode<synchronous>, transform_indices = @transform_1, window_bounds = array<i64: 128, 128>}, {transform_indices = @transform_2, window_bounds = array<i64: 1280, 32>}, {transform_indices = @transform_3, window_bounds = array<i64: 1280, 128>}]} {
    %get3A = arith.constant 0 : index
    %get3A_0 = arith.constant 0 : index
    %get3A_1 = vector.load %arg3[%get3A, %get3A_0] : memref<1280x32xf32, #tpu.memory_space<vmem>>, vector<1280x32xf32>
    %reduce_sum3A = arith.constant dense<0.000000e+00> : vector<1280xf32>
    %reduce_sum3A_2 = vector.multi_reduction <add>, %get3A_1, %reduce_sum3A [1] : vector<1280x32xf32> to vector<1280xf32>
    %broadcast_in_dim3A = vector.shape_cast %reduce_sum3A_2 : vector<1280xf32> to vector<1280x1xf32>
    %add3A = arith.constant 1.000000e+00 : f32
    %add3A_3 = vector.broadcast %add3A : f32 to vector<1280x1xf32>
    %add3A_4 = arith.addf %broadcast_in_dim3A, %add3A_3 : vector<1280x1xf32>
    %rsqrt3A = math.rsqrt %add3A_4 : vector<1280x1xf32>
    %get3A_5 = arith.constant 0 : index
    %get3A_6 = arith.constant 0 : index
    %get3A_7 = vector.load %arg1[%get3A_5, %get3A_6] : memref<1280x128xf32, #tpu.memory_space<vmem>>, vector<1280x128xf32>
    %get3A_8 = arith.constant 0 : index
    %get3A_9 = arith.constant 0 : index
    %get3A_10 = vector.load %arg2[%get3A_8, %get3A_9] : memref<128x128xf32, #tpu.memory_space<vmem>>, vector<128x128xf32>
    %dot_general3A = arith.constant dense<0.000000e+00> : vector<1280x128xf32>
    %dot_general3A_11 = tpu.matmul %get3A_7, %get3A_10, %dot_general3A {dimension_numbers = #tpu.dot_dimension_numbers<[1], [0], [0], [1], [0, 0, 1, 1], [], []>, transpose_lhs_hint = false} : vector<1280x128xf32>, vector<128x128xf32>, vector<1280x128xf32> -> vector<1280x128xf32>
    %mul3A = vector.broadcast %rsqrt3A : vector<1280x1xf32> to vector<1280x128xf32>
    %mul3A_12 = arith.mulf %dot_general3A_11, %mul3A : vector<1280x128xf32>
    %swap3A = arith.constant 0 : index
    %swap3A_13 = arith.constant 0 : index
    %swap3A_14 = vector.load %arg4[%swap3A, %swap3A_13] : memref<1280x128xf32, #tpu.memory_space<vmem>>, vector<1280x128xf32>
    tpu.vector_store %arg4[%swap3A, %swap3A_13], %mul3A_12 {strides = array<i32>} : memref<1280x128xf32, #tpu.memory_space<vmem>>, vector<1280x128xf32>,
    return
  }
  func.func @transform_0(%arg0: i32) -> (i32, i32) {
    %c0_i32 = arith.constant 0 : i32
    %c0_i32_0 = arith.constant 0 : i32
    return %arg0, %c0_i32 : i32, i32
  }
  func.func @transform_1(%arg0: i32) -> (i32, i32) {
    %c0_i32 = arith.constant 0 : i32
    %c0_i32_0 = arith.constant 0 : i32
    %c0_i32_1 = arith.constant 0 : i32
    return %c0_i32, %c0_i32_0 : i32, i32
  }
  func.func @transform_2(%arg0: i32) -> (i32, i32) {
    %c0_i32 = arith.constant 0 : i32
    %c0_i32_0 = arith.constant 0 : i32
    return %arg0, %c0_i32 : i32, i32
  }
  func.func @transform_3(%arg0: i32) -> (i32, i32) {
    %c0_i32 = arith.constant 0 : i32
    %c0_i32_0 = arith.constant 0 : i32
    return %arg0, %c0_i32 : i32, i32
  }
}

module attributes {stable_mosaic.version = 14 : i64} {
  func.func @_mid_body(%arg0: i32, %arg1: memref<1x1280x128xf32, #tpu.memory_space<vmem>>, %arg2: memref<1x1280x128xf32, #tpu.memory_space<vmem>>, %arg3: memref<1280x128xf32, #tpu.memory_space<vmem>>, %arg4: memref<1280x32xf32, #tpu.memory_space<vmem>>, %arg5: memref<128x128xf32, #tpu.memory_space<vmem>>, %arg6: memref<1x128xf32, #tpu.memory_space<vmem>>, %arg7: memref<1280x128xf32, #tpu.memory_space<vmem>>) attributes {dimension_semantics = [#tpu.dimension_semantics<arbitrary>], iteration_bounds = array<i64: 8>, scalar_prefetch = 0 : i64, scratch_operands = 0 : i64, tpu.core_type = #tpu.core_type<tc>, window_params = [{transform_indices = @transform_0, window_bounds = array<i64: 1, 1280, 128>}, {transform_indices = @transform_1, window_bounds = array<i64: 1, 1280, 128>}, {transform_indices = @transform_2, window_bounds = array<i64: 1280, 128>}, {transform_indices = @transform_3, window_bounds = array<i64: 1280, 32>}, {pipeline_mode = #tpu.pipeline_mode<synchronous>, transform_indices = @transform_4, window_bounds = array<i64: 128, 128>}, {pipeline_mode = #tpu.pipeline_mode<synchronous>, transform_indices = @transform_5, window_bounds = array<i64: 1, 128>}, {transform_indices = @transform_6, window_bounds = array<i64: 1280, 128>}]} {
    %get3A = arith.constant 0 : index
    %get3A_0 = arith.constant 0 : index
    %get3A_1 = vector.load %arg4[%get3A, %get3A_0] : memref<1280x32xf32, #tpu.memory_space<vmem>>, vector<1280x32xf32>
    %reduce_sum3A = arith.constant dense<0.000000e+00> : vector<1280xf32>
    %reduce_sum3A_2 = vector.multi_reduction <add>, %get3A_1, %reduce_sum3A [1] : vector<1280x32xf32> to vector<1280xf32>
    %broadcast_in_dim3A = vector.shape_cast %reduce_sum3A_2 : vector<1280xf32> to vector<1280x1xf32>
    %add3A = arith.constant 1.000000e+00 : f32
    %add3A_3 = vector.broadcast %add3A : f32 to vector<1280x1xf32>
    %add3A_4 = arith.addf %broadcast_in_dim3A, %add3A_3 : vector<1280x1xf32>
    %rsqrt3A = math.rsqrt %add3A_4 : vector<1280x1xf32>
    %get3A_5 = arith.constant 0 : index
    %get3A_6 = arith.constant 0 : index
    %get3A_7 = arith.constant 0 : index
    %get3A_8 = vector.load %arg1[%get3A_5, %get3A_6, %get3A_7] : memref<1x1280x128xf32, #tpu.memory_space<vmem>>, vector<1x1280x128xf32>
    %get3A_9 = vector.shape_cast %get3A_8 : vector<1x1280x128xf32> to vector<1280x128xf32>
    %get3A_10 = arith.constant 0 : index
    %get3A_11 = arith.constant 0 : index
    %get3A_12 = arith.constant 0 : index
    %get3A_13 = vector.load %arg2[%get3A_10, %get3A_11, %get3A_12] : memref<1x1280x128xf32, #tpu.memory_space<vmem>>, vector<1x1280x128xf32>
    %get3A_14 = vector.shape_cast %get3A_13 : vector<1x1280x128xf32> to vector<1280x128xf32>
    %add3A_15 = arith.addf %get3A_9, %get3A_14 : vector<1280x128xf32>
    %get3A_16 = arith.constant 0 : index
    %get3A_17 = arith.constant 0 : index
    %get3A_18 = vector.load %arg3[%get3A_16, %get3A_17] : memref<1280x128xf32, #tpu.memory_space<vmem>>, vector<1280x128xf32>
    %add3A_19 = arith.addf %add3A_15, %get3A_18 : vector<1280x128xf32>
    %mul3A = vector.broadcast %rsqrt3A : vector<1280x1xf32> to vector<1280x128xf32>
    %mul3A_20 = arith.mulf %mul3A, %add3A_19 : vector<1280x128xf32>
    %get3A_21 = arith.constant 0 : index
    %get3A_22 = arith.constant 0 : index
    %get3A_23 = vector.load %arg6[%get3A_21, %get3A_22] : memref<1x128xf32, #tpu.memory_space<vmem>>, vector<1x128xf32>
    %add3A_24 = vector.broadcast %get3A_23 : vector<1x128xf32> to vector<1280x128xf32>
    %add3A_25 = arith.addf %mul3A_20, %add3A_24 : vector<1280x128xf32>
    %max3A = arith.constant 0.000000e+00 : f32
    %max3A_26 = vector.broadcast %max3A : f32 to vector<1280x128xf32>
    %max3A_27 = arith.maximumf %add3A_25, %max3A_26 : vector<1280x128xf32>
    %get3A_28 = arith.constant 0 : index
    %get3A_29 = arith.constant 0 : index
    %get3A_30 = vector.load %arg5[%get3A_28, %get3A_29] : memref<128x128xf32, #tpu.memory_space<vmem>>, vector<128x128xf32>
    %dot_general3A = arith.constant dense<0.000000e+00> : vector<1280x128xf32>
    %dot_general3A_31 = tpu.matmul %max3A_27, %get3A_30, %dot_general3A {dimension_numbers = #tpu.dot_dimension_numbers<[1], [0], [0], [1], [0, 0, 1, 1], [], []>, transpose_lhs_hint = false} : vector<1280x128xf32>, vector<128x128xf32>, vector<1280x128xf32> -> vector<1280x128xf32>
    %mul3A_32 = vector.broadcast %rsqrt3A : vector<1280x1xf32> to vector<1280x128xf32>
    %mul3A_33 = arith.mulf %dot_general3A_31, %mul3A_32 : vector<1280x128xf32>
    %mul3A_34 = arith.constant 1280 : i32
    %mul3A_35 = arith.muli %arg0, %mul3A_34 : i32
    %iota3A = tpu.iota {dimensions = array<i32: 0>} : vector<1280x1xi32>
    %add3A_36 = vector.broadcast %mul3A_35 : i32 to vector<1280x1xi32>
    %add3A_37 = arith.addi %add3A_36, %iota3A : vector<1280x1xi32>
    %lt3A = arith.constant 10000 : i32
    %lt3A_38 = vector.broadcast %lt3A : i32 to vector<1280x1xi32>
    %lt3A_39 = arith.cmpi slt, %add3A_37, %lt3A_38 : vector<1280x1xi32>
    %jit3A = arith.constant 0.000000e+00 : f32
    %broadcast_in_dim3A_40 = vector.shape_cast %lt3A_39 : vector<1280x1xi1> to vector<1280x1xi1>
    %broadcast_in_dim3A_41 = vector.broadcast %broadcast_in_dim3A_40 : vector<1280x1xi1> to vector<1280x128xi1>
    %broadcast_in_dim3A_42 = vector.broadcast %jit3A : f32 to vector<1280x128xf32>
    %select_n3A = arith.select %broadcast_in_dim3A_41, %mul3A_33, %broadcast_in_dim3A_42 : vector<1280x128xi1>, vector<1280x128xf32>
    %swap3A = arith.constant 0 : index
    %swap3A_43 = arith.constant 0 : index
    %swap3A_44 = vector.load %arg7[%swap3A, %swap3A_43] : memref<1280x128xf32, #tpu.memory_space<vmem>>, vector<1280x128xf32>
    tpu.vector_store %arg7[%swap3A, %swap3A_43], %select_n3A {strides = array<i32>} : memref<1280x128xf32, #tpu.memory_space<vmem>>, vector<1280x128xf32>,
    return
  }
  func.func @transform_0(%arg0: i32) -> (i32, i32, i32) {
    %c0_i32 = arith.constant 0 : i32
    %c0_i32_0 = arith.constant 0 : i32
    %c0_i32_1 = arith.constant 0 : i32
    return %c0_i32, %arg0, %c0_i32_0 : i32, i32, i32
  }
  func.func @transform_1(%arg0: i32) -> (i32, i32, i32) {
    %c1_i32 = arith.constant 1 : i32
    %c0_i32 = arith.constant 0 : i32
    %c0_i32_0 = arith.constant 0 : i32
    return %c1_i32, %arg0, %c0_i32 : i32, i32, i32
  }
  func.func @transform_2(%arg0: i32) -> (i32, i32) {
    %c0_i32 = arith.constant 0 : i32
    %c0_i32_0 = arith.constant 0 : i32
    return %arg0, %c0_i32 : i32, i32
  }
  func.func @transform_3(%arg0: i32) -> (i32, i32) {
    %c0_i32 = arith.constant 0 : i32
    %c0_i32_0 = arith.constant 0 : i32
    return %arg0, %c0_i32 : i32, i32
  }
  func.func @transform_4(%arg0: i32) -> (i32, i32) {
    %c0_i32 = arith.constant 0 : i32
    %c0_i32_0 = arith.constant 0 : i32
    %c0_i32_1 = arith.constant 0 : i32
    return %c0_i32, %c0_i32_0 : i32, i32
  }
  func.func @transform_5(%arg0: i32) -> (i32, i32) {
    %c0_i32 = arith.constant 0 : i32
    %c0_i32_0 = arith.constant 0 : i32
    %c0_i32_1 = arith.constant 0 : i32
    return %c0_i32, %c0_i32_0 : i32, i32
  }
  func.func @transform_6(%arg0: i32) -> (i32, i32) {
    %c0_i32 = arith.constant 0 : i32
    %c0_i32_0 = arith.constant 0 : i32
    return %arg0, %c0_i32 : i32, i32
  }
}

module attributes {stable_mosaic.version = 14 : i64} {
  func.func @_final_body(%arg0: i32, %arg1: memref<1x1280x128xf32, #tpu.memory_space<vmem>>, %arg2: memref<1x1280x128xf32, #tpu.memory_space<vmem>>, %arg3: memref<1280x128xf32, #tpu.memory_space<vmem>>, %arg4: memref<1280x32xf32, #tpu.memory_space<vmem>>, %arg5: memref<1x128xf32, #tpu.memory_space<vmem>>, %arg6: memref<128x128xf32, #tpu.memory_space<vmem>>, %arg7: memref<1x128xf32, #tpu.memory_space<vmem>>, %arg8: memref<1280x128xf32, #tpu.memory_space<vmem>>) attributes {dimension_semantics = [#tpu.dimension_semantics<arbitrary>], iteration_bounds = array<i64: 8>, scalar_prefetch = 0 : i64, scratch_operands = 0 : i64, tpu.core_type = #tpu.core_type<tc>, window_params = [{transform_indices = @transform_0, window_bounds = array<i64: 1, 1280, 128>}, {transform_indices = @transform_1, window_bounds = array<i64: 1, 1280, 128>}, {transform_indices = @transform_2, window_bounds = array<i64: 1280, 128>}, {transform_indices = @transform_3, window_bounds = array<i64: 1280, 32>}, {pipeline_mode = #tpu.pipeline_mode<synchronous>, transform_indices = @transform_4, window_bounds = array<i64: 1, 128>}, {pipeline_mode = #tpu.pipeline_mode<synchronous>, transform_indices = @transform_5, window_bounds = array<i64: 128, 128>}, {pipeline_mode = #tpu.pipeline_mode<synchronous>, transform_indices = @transform_6, window_bounds = array<i64: 1, 128>}, {transform_indices = @transform_7, window_bounds = array<i64: 1280, 128>}]} {
    %get3A = arith.constant 0 : index
    %get3A_0 = arith.constant 0 : index
    %get3A_1 = vector.load %arg4[%get3A, %get3A_0] : memref<1280x32xf32, #tpu.memory_space<vmem>>, vector<1280x32xf32>
    %reduce_sum3A = arith.constant dense<0.000000e+00> : vector<1280xf32>
    %reduce_sum3A_2 = vector.multi_reduction <add>, %get3A_1, %reduce_sum3A [1] : vector<1280x32xf32> to vector<1280xf32>
    %broadcast_in_dim3A = vector.shape_cast %reduce_sum3A_2 : vector<1280xf32> to vector<1280x1xf32>
    %add3A = arith.constant 1.000000e+00 : f32
    %add3A_3 = vector.broadcast %add3A : f32 to vector<1280x1xf32>
    %add3A_4 = arith.addf %broadcast_in_dim3A, %add3A_3 : vector<1280x1xf32>
    %rsqrt3A = math.rsqrt %add3A_4 : vector<1280x1xf32>
    %get3A_5 = arith.constant 0 : index
    %get3A_6 = arith.constant 0 : index
    %get3A_7 = arith.constant 0 : index
    %get3A_8 = vector.load %arg1[%get3A_5, %get3A_6, %get3A_7] : memref<1x1280x128xf32, #tpu.memory_space<vmem>>, vector<1x1280x128xf32>
    %get3A_9 = vector.shape_cast %get3A_8 : vector<1x1280x128xf32> to vector<1280x128xf32>
    %get3A_10 = arith.constant 0 : index
    %get3A_11 = arith.constant 0 : index
    %get3A_12 = arith.constant 0 : index
    %get3A_13 = vector.load %arg2[%get3A_10, %get3A_11, %get3A_12] : memref<1x1280x128xf32, #tpu.memory_space<vmem>>, vector<1x1280x128xf32>
    %get3A_14 = vector.shape_cast %get3A_13 : vector<1x1280x128xf32> to vector<1280x128xf32>
    %add3A_15 = arith.addf %get3A_9, %get3A_14 : vector<1280x128xf32>
    %get3A_16 = arith.constant 0 : index
    %get3A_17 = arith.constant 0 : index
    %get3A_18 = vector.load %arg3[%get3A_16, %get3A_17] : memref<1280x128xf32, #tpu.memory_space<vmem>>, vector<1280x128xf32>
    %add3A_19 = arith.addf %add3A_15, %get3A_18 : vector<1280x128xf32>
    %mul3A = vector.broadcast %rsqrt3A : vector<1280x1xf32> to vector<1280x128xf32>
    %mul3A_20 = arith.mulf %mul3A, %add3A_19 : vector<1280x128xf32>
    %get3A_21 = arith.constant 0 : index
    %get3A_22 = arith.constant 0 : index
    %get3A_23 = vector.load %arg5[%get3A_21, %get3A_22] : memref<1x128xf32, #tpu.memory_space<vmem>>, vector<1x128xf32>
    %add3A_24 = vector.broadcast %get3A_23 : vector<1x128xf32> to vector<1280x128xf32>
    %add3A_25 = arith.addf %mul3A_20, %add3A_24 : vector<1280x128xf32>
    %max3A = arith.constant 0.000000e+00 : f32
    %max3A_26 = vector.broadcast %max3A : f32 to vector<1280x128xf32>
    %max3A_27 = arith.maximumf %add3A_25, %max3A_26 : vector<1280x128xf32>
    %get3A_28 = arith.constant 0 : index
    %get3A_29 = arith.constant 0 : index
    %get3A_30 = vector.load %arg6[%get3A_28, %get3A_29] : memref<128x128xf32, #tpu.memory_space<vmem>>, vector<128x128xf32>
    %dot_general3A = arith.constant dense<0.000000e+00> : vector<1280x128xf32>
    %dot_general3A_31 = tpu.matmul %max3A_27, %get3A_30, %dot_general3A {dimension_numbers = #tpu.dot_dimension_numbers<[1], [0], [0], [1], [0, 0, 1, 1], [], []>, transpose_lhs_hint = false} : vector<1280x128xf32>, vector<128x128xf32>, vector<1280x128xf32> -> vector<1280x128xf32>
    %get3A_32 = arith.constant 0 : index
    %get3A_33 = arith.constant 0 : index
    %get3A_34 = vector.load %arg7[%get3A_32, %get3A_33] : memref<1x128xf32, #tpu.memory_space<vmem>>, vector<1x128xf32>
    %add3A_35 = vector.broadcast %get3A_34 : vector<1x128xf32> to vector<1280x128xf32>
    %add3A_36 = arith.addf %dot_general3A_31, %add3A_35 : vector<1280x128xf32>
    %reduce_max3A = arith.constant dense<0xFF800000> : vector<1280xf32>
    %reduce_max3A_37 = vector.multi_reduction <maximumf>, %add3A_36, %reduce_max3A [1] : vector<1280x128xf32> to vector<1280xf32>
    %broadcast_in_dim3A_38 = vector.shape_cast %reduce_max3A_37 : vector<1280xf32> to vector<1280x1xf32>
    %sub3A = vector.broadcast %broadcast_in_dim3A_38 : vector<1280x1xf32> to vector<1280x128xf32>
    %sub3A_39 = arith.subf %add3A_36, %sub3A : vector<1280x128xf32>
    %exp3A = math.exp %sub3A_39 : vector<1280x128xf32>
    %reduce_sum3A_40 = arith.constant dense<0.000000e+00> : vector<1280xf32>
    %reduce_sum3A_41 = vector.multi_reduction <add>, %exp3A, %reduce_sum3A_40 [1] : vector<1280x128xf32> to vector<1280xf32>
    %broadcast_in_dim3A_42 = vector.shape_cast %reduce_sum3A_41 : vector<1280xf32> to vector<1280x1xf32>
    %sub3A_43 = vector.broadcast %broadcast_in_dim3A_38 : vector<1280x1xf32> to vector<1280x128xf32>
    %sub3A_44 = arith.subf %add3A_36, %sub3A_43 : vector<1280x128xf32>
    %log3A = math.log %broadcast_in_dim3A_42 : vector<1280x1xf32>
    %sub3A_45 = vector.broadcast %log3A : vector<1280x1xf32> to vector<1280x128xf32>
    %sub3A_46 = arith.subf %sub3A_44, %sub3A_45 : vector<1280x128xf32>
    %swap3A = arith.constant 0 : index
    %swap3A_47 = arith.constant 0 : index
    %swap3A_48 = vector.load %arg8[%swap3A, %swap3A_47] : memref<1280x128xf32, #tpu.memory_space<vmem>>, vector<1280x128xf32>
    tpu.vector_store %arg8[%swap3A, %swap3A_47], %sub3A_46 {strides = array<i32>} : memref<1280x128xf32, #tpu.memory_space<vmem>>, vector<1280x128xf32>,
    return
  }
  func.func @transform_0(%arg0: i32) -> (i32, i32, i32) {
    %c0_i32 = arith.constant 0 : i32
    %c0_i32_0 = arith.constant 0 : i32
    %c0_i32_1 = arith.constant 0 : i32
    return %c0_i32, %arg0, %c0_i32_0 : i32, i32, i32
  }
  func.func @transform_1(%arg0: i32) -> (i32, i32, i32) {
    %c1_i32 = arith.constant 1 : i32
    %c0_i32 = arith.constant 0 : i32
    %c0_i32_0 = arith.constant 0 : i32
    return %c1_i32, %arg0, %c0_i32 : i32, i32, i32
  }
  func.func @transform_2(%arg0: i32) -> (i32, i32) {
    %c0_i32 = arith.constant 0 : i32
    %c0_i32_0 = arith.constant 0 : i32
    return %arg0, %c0_i32 : i32, i32
  }
  func.func @transform_3(%arg0: i32) -> (i32, i32) {
    %c0_i32 = arith.constant 0 : i32
    %c0_i32_0 = arith.constant 0 : i32
    return %arg0, %c0_i32 : i32, i32
  }
  func.func @transform_4(%arg0: i32) -> (i32, i32) {
    %c0_i32 = arith.constant 0 : i32
    %c0_i32_0 = arith.constant 0 : i32
    %c0_i32_1 = arith.constant 0 : i32
    return %c0_i32, %c0_i32_0 : i32, i32
  }
  func.func @transform_5(%arg0: i32) -> (i32, i32) {
    %c0_i32 = arith.constant 0 : i32
    %c0_i32_0 = arith.constant 0 : i32
    %c0_i32_1 = arith.constant 0 : i32
    return %c0_i32, %c0_i32_0 : i32, i32
  }
  func.func @transform_6(%arg0: i32) -> (i32, i32) {
    %c0_i32 = arith.constant 0 : i32
    %c0_i32_0 = arith.constant 0 : i32
    %c0_i32_1 = arith.constant 0 : i32
    return %c0_i32, %c0_i32_0 : i32, i32
  }
  func.func @transform_7(%arg0: i32) -> (i32, i32) {
    %c0_i32 = arith.constant 0 : i32
    %c0_i32_0 = arith.constant 0 : i32
    return %arg0, %c0_i32 : i32, i32
  }
}

</mosaic_0001>

<sc_bundles>
// kernel: kernel.11.cloned.1.call-start
scs
__scs_entry_jumppad:
0x0: {  	(pc) =	sbr.rel $0x88, $3  }
0x1: {  	(tag) =	ssettag $0x0;
	lr =	simm.s32 $0x1  }
0x2: {  	[smem:$0x3F99] =	sst lr;
	_ =	strace $0xD0000000  }
0x3: {  	_ = 	snop  }
0x4: {  	_ = 	snop  }
0x5: {  	_ = 	snop  }
0x6: {  	_ = 	snop  }
0x7: {  	_ = 	snop  }
__scs_overlays_trampoline_lowered:
0x8: {  	[smem:$0x3FA8] =	sst s0  }
0x9: {  	[smem:$0x3FA9] =	sst s1  }
0xa: {  	[smem:$0x3FAA] =	sst s2  }
0xb: {  	[smem:$0x3FAB] =	sst s3  }
0xc: {  	[smem:$0x3FAC] =	sst s4  }
0xd: {  	[smem:$0x3FAD] =	sst s5  }
0xe: {  	[smem:$0x3FAE] =	sst s6  }
0xf: {  	[smem:$0x3FAF] =	sst s7  }
0x10: {  	[smem:$0x3FB0] =	sst s8  }
0x11: {  	[smem:$0x3FB1] =	sst s9;
	s0 =	simm.s32 @!p0 $0x0  }
0x12: {  	s1 =	sld [smem:$0x3F97];
	s0 =	simm.s32 @p0 $0x1  }
0x13: {  	[smem:$0x3FB2] =	sst s0;
	s0 =	simm.s32 @!p1 $0x0  }
0x14: {  	s2 =	sld [smem:$0x3F96];
	s0 =	simm.s32 @p1 $0x1  }
0x15: {  	[smem:$0x3FB3] =	sst s0;
	s0 =	simm.s32 @!p2 $0x0  }
0x16: {  	s3 =	sld [smem:$0x3FDB];
	s0 =	simm.s32 @p2 $0x1  }
0x17: {  	s4 =	simm.s32 $0x1BF5;
	[smem:$0x3FB5] =	sst s0  }
0x18: {  	s0 =	sld [smem:$0x3F98];
	_ =	swait.ge [sflag:s4], $0x0  }
0x19: {  	s7 =	sld [smem:$0x3F99]  }
0x1a: {  	s8 =	sadd.s32 $0xFFFFE003, lr  }
0x1b: {  	s9 =	sadd.s32 $0xFFFFFEF7, lr;
	s5 =	simm.s32 $0xFFFFFFFF;
	p2 =	slt.u32 s8, $0xFFFFF086  }
0x1c: {  	p1 =	slt.u32 s9, $0xF7A;
	s5 =	simm.s32 @!p2 $0x0  }
0x1d: {  	s5 =	simm.s32 @p1 $0x1;
	p0 =	seq.s32 s7, s2  }
0x1e: {  	s7 =	smul.u32 @!p0 $0xF7A, s2;
	p2 =	seq.s32 @!p0 s5, $0x0  }
0x1f: {  	s9 =	smul.u32 $0xF7A, s1;
	s8 =	simm.s32 @!p0 $0x1BF5;
	p2 =	por !p2, p0  }
0x20: {  	[sflag:s8] =	ssyncset.s32 @!p0 $0xFFFFF086;
	s6 =	sadd.s32 @!p0 s3, s7;
	s7 =	simm.s32 @!p0 $0x108  }
0x21: {  	s3 =	sadd.s32 s3, s9;
	s6 =	sadd.s32 @!p0 $0x88, s6;
	s7 =	simm.s32 @p2 $0x1082  }
0x22: {  	[simem:s7], [sflag:s8] =	dma.local @!p0 [hbm:s6], $0xF7A  }
0x23: {  	s9 =	sor.u32 $0xD0000000, s2;
	s6 =	simm.s32 $0x108;
	_ =	swait.ge @!p0 [sflag:s8], $0x0  }
0x24: {  	s3 =	sadd.s32 $0x88, s3;
	s6 =	simm.s32 @!p1 $0x1082;
	[sflag:s4] =	ssyncset.s32 $0xFFFFF086  }
0x25: {  	[simem:s6], [sflag:s4] =	dma.local [hbm:s3], $0xF7A  }
0x26: {  	[smem:$0x3F99] =	sst s1;
	(tag) =	ssettag s2;
	_ =	strace s9  }
0x27: {  	s1 =	sld [smem:$0x3FA9]  }
0x28: {  	s2 =	sld [smem:$0x3FAA]  }
0x29: {  	s4 =	sld [smem:$0x3FAC]  }
0x2a: {  	p0 =	seq.s32 s5, $0x0;
	s5 =	sld [smem:$0x3FAD]  }
0x2b: {  	s6 =	sld [smem:$0x3FAE]  }
0x2c: {  	s7 =	sld [smem:$0x3FAF]  }
0x2d: {  	s3 =	simm.s32 $0x108;
	s8 =	sld [smem:$0x3FB0]  }
0x2e: {  	s3 =	simm.s32 @!p0 $0x1082;
	s9 =	sld [smem:$0x3FB1]  }
0x2f: {  	lr =	sadd.s32 s0, s3;
	s0 =	sld [smem:$0x3FA8]  }
0x30: {  	s3 =	sld [smem:$0x3FAB]  }
0x31: {  	[smem:$0x3FB4] =	sst s10  }
0x32: {  	s10 =	sld [smem:$0x3FB2];
	_ =	sdelay $0x3  }
0x33: {  	p0 =	seq.s32 s10, $0x1;
	s10 =	sld [smem:$0x3FB4];
	_ =	sdelay $0x3  }
0x34: {  	[smem:$0x3FB4] =	sst s10  }
0x35: {  	s10 =	sld [smem:$0x3FB3];
	_ =	sdelay $0x3  }
0x36: {  	p1 =	seq.s32 s10, $0x1;
	s10 =	sld [smem:$0x3FB4];
	_ =	sdelay $0x3  }
0x37: {  	[smem:$0x3FB4] =	sst s10  }
0x38: {  	s10 =	sld [smem:$0x3FB5]  }
0x39: {  	_ = 	snop;
	(pc) =	sbr.ind lr, $3  }
0x3a: {  	_ = 	snop  }
0x3b: {  	_ = 	snop  }
0x3c: {  	p2 =	seq.s32 s10, $0x1;
	s10 =	sld [smem:$0x3FB4]  }
0x3d: {  	_ =	shalt  }
0x3e: {  	_ =	shalt  }
0x3f: {  	_ =	shalt  }
0x40: {  	_ =	shalt  }
0x41: {  	_ =	shalt  }
0x42: {  	_ =	shalt  }
0x43: {  	_ =	shalt  }
0x44: {  	_ =	shalt  }
0x45: {  	_ =	shalt  }
0x46: {  	_ =	shalt  }
0x47: {  	_ =	shalt  }
0x48: {  	_ =	shalt  }
0x49: {  	_ =	shalt  }
0x4a: {  	_ =	shalt  }
0x4b: {  	_ =	shalt  }
0x4c: {  	_ =	shalt  }
0x4d: {  	_ =	shalt  }
0x4e: {  	_ =	shalt  }
0x4f: {  	_ =	shalt  }
0x50: {  	_ =	shalt  }
0x51: {  	_ =	shalt  }
0x52: {  	_ =	shalt  }
0x53: {  	_ =	shalt  }
0x54: {  	_ =	shalt  }
0x55: {  	_ =	shalt  }
0x56: {  	_ =	shalt  }
0x57: {  	_ =	shalt  }
0x58: {  	_ =	shalt  }
0x59: {  	_ =	shalt  }
0x5a: {  	_ =	shalt  }
0x5b: {  	_ =	shalt  }
0x5c: {  	_ =	shalt  }
0x5d: {  	_ =	shalt  }
0x5e: {  	_ =	shalt  }
0x5f: {  	_ =	shalt  }
0x60: {  	_ =	shalt  }
0x61: {  	_ =	shalt  }
0x62: {  	_ =	shalt  }
0x63: {  	_ =	shalt  }
0x64: {  	_ =	shalt  }
0x65: {  	_ =	shalt  }
0x66: {  	_ =	shalt  }
0x67: {  	_ =	shalt  }
0x68: {  	_ =	shalt  }
0x69: {  	_ =	shalt  }
0x6a: {  	_ =	shalt  }
0x6b: {  	_ =	shalt  }
0x6c: {  	_ =	shalt  }
0x6d: {  	_ =	shalt  }
0x6e: {  	_ =	shalt  }
0x6f: {  	_ =	shalt  }
0x70: {  	_ =	shalt  }
0x71: {  	_ =	shalt  }
0x72: {  	_ =	shalt  }
0x73: {  	_ =	shalt  }
0x74: {  	_ =	shalt  }
0x75: {  	_ =	shalt  }
0x76: {  	_ =	shalt  }
0x77: {  	_ =	shalt  }
0x78: {  	_ =	shalt  }
0x79: {  	_ =	shalt  }
0x7a: {  	_ =	shalt  }
0x7b: {  	_ =	shalt  }
0x7c: {  	_ =	shalt  }
0x7d: {  	_ =	shalt  }
0x7e: {  	_ =	shalt  }
0x7f: {  	_ =	shalt  }
0x80: {  	_ =	shalt  }
0x81: {  	_ =	shalt  }
0x82: {  	_ =	shalt  }
0x83: {  	_ =	shalt  }
0x84: {  	_ =	shalt  }
0x85: {  	_ =	shalt  }
0x86: {  	_ =	shalt  }
0x87: {  	_ =	shalt  }
.Lfunc_end0:
.L_simem_size_0:
called_computation.1_lowered:
.L_overlay_start_0:
0x88: {  	s2 =	sld [smem:$0x3FD9]  }
0x89: {  	s3 =	sld [smem:$0x3FFE];
	_ =	sdelay $0x1  }
0x8a: {  	s1 =	srdreg.scid  }
0x8b: {  	s0 =	sand.u32 $0x1, s1  }
0x8c: {  	s17 =	sshll.u32 s0, $0xA;
	s2 =	sadd.s32 s3, s2  }
0x8d: {  	s2 =	sadd.s32 s2, s17  }
0x8e: {  	[smem:$0x3FC0] =	sst s2  }
0x8f: {  	_ = 	snop  }
0x90: {  	s2 =	sld [smem:$0x3FD0];
	(tm) =	ssettm $0x1  }
0x91: {  	s18 =	sld [smem:$0x3FFB];
	_ =	sdelay $0x3  }
0x92: {  	_ =	strace s18  }
0x93: {  	s3 =	sld [smem:$0x3FFC];
	_ =	sdelay $0x3  }
0x94: {  	_ =	strace s3  }
0x95: {  	s3 =	sld [smem:$0x3FFD];
	_ =	sdelay $0x3  }
0x96: {  	_ =	strace s3  }
0x97: {  	_ =	strace $0x8FFFFFFF  }
0x98: {  	s19 =	sld [smem:$0x3FDB];
	_ =	sdelay $0x1  }
0x99: {  	s4 =	simm.s32 $_scs_section_size  }
0x9a: {  	s5 =	simm.s32 $_size__tile_overlayer_lowered;
	s6 =	simm.s32 $_tile_overlayer_lowered  }
0x9b: {  	s22 =	simm.s32 $0x1BFF;
	s21 =	sshll.u32 s6, $0x1;
	s3 =	sadd.s32 s4, s19  }
0x9c: {  	s7 =	simm.s32 $0x0;
	s20 =	sshll.u32 s5, $0x1;
	s5 =	sadd.s32 s21, s3  }
0x9d: {  	[timem:s7], [sflag:s22] =	dma.local [hbm:s5], s20  }
0x9e: {  	_ =	swait.ge [sflag:s22], s20  }
0x9f: {  	s4 =	ssub.s32 $0x0, s20;
	[sflag:s22] =	ssyncset.done $0x0  }
0xa0: {  	[sflag:s22] =	ssyncadd.s32 s4;
	_ =	sdelay $0x1  }
0xa1: {  	s23 =	simm.s32 $0x1B8B  }
0xa2: {  	_ =	swait.ge [sflag:s23], $0x1  }
0xa3: {  	[sflag:s23] =	ssyncset.done $0x0  }
0xa4: {  	s25 =	simm.s32 $0x1B8E;
	s24 =	sld [smem:$0x3FFE];
	[sflag:s23] =	ssyncadd.s32 $0xFFFFFFFF  }
0xa5: {  	s26 =	simm.s32 $execute0_lowered;
	[smem:$0x3FD2] =	sst s25  }
0xa6: {  	s5 =	sshll.u32 s26, $0x1;
	_ =	strace $0x80000049;
	[dreg:$0x1] =	wrdreg $0xFFFFFFFF  }
0xa7: {  	s28 =	simm.s32 $_size_execute0_lowered;
	s3 =	sadd.s32 s3, s5;
	[dreg:$0x0] =	wrdreg $0x0  }
0xa8: {  	s5 =	sshll.u32 s28, $0x1;
	[dreg:$0x2] =	wrdreg s3  }
0xa9: {  	[dreg:$0x3] =	wrdreg s5  }
0xaa: {  	[dreg:$0x4] =	wrdreg $0xC0  }
0xab: {  	_ =	task [dreg:s7], $0x5FFFF  }
0xac: {  	[dreg:$0x1] =	wrdreg $0xFFFFFFFF  }
0xad: {  	[dreg:$0x0] =	wrdreg $0x60  }
0xae: {  	[dreg:$0x2] =	wrdreg s24  }
0xaf: {  	[dreg:$0x3] =	wrdreg s2  }
0xb0: {  	[dreg:$0x4] =	wrdreg $0x82800  }
0xb1: {  	[dreg:$0x5] =	wrdreg $0x9  }
0xb2: {  	_ =	task.clear_ibuf [dreg:s7], $0x6FFFF;
	_ =	strace $0x90000049  }
0xb3: {  	s29 =	simm.s32 $0x9;
	_ =	strace $0x8000004B  }
0xb4: {  	_ =	swait.ge [sflag:s29], $0x1  }
0xb5: {  	[sflag:s29] =	ssyncadd.s32 $0xFFFFFFFF  }
0xb6: {  	_ =	strace $0x9000004B  }
0xb7: {  	_ =	sfence  }
0xb8: {  	s30 =	sld [smem:$0x0];
	_ =	sdelay $0x2  }
0xb9: {  	s31 =	sshll.u32 s1, $0xD;
	s1 =	sshrl.u32 s1, $0x2  }
0xba: {  	s3 =	sand.u32 $0x4000, s31;
	s1 =	sadd.s32 s1, s30  }
0xbb: {  	s0 =	sor.u32 s3, s0;
	s1 =	sshll.u32 s1, $0x11  }
0xbc: {  	s0 =	sor.u32 s1, s0  }
0xbd: {  	s0 =	sadd.s32 $0x8F2B, s0  }
0xbe: {  	[sflag:s0] =	ssyncadd.remote.s32 $0x1  }
0xbf: {  	_ =	sfence.sel $0xFFFF  }
0xc0: {  	[dreg:$0x0] =	wrdreg $0xFFFFFFFF;
	(pc) =	sbr.abs _section_cstart, $3  }
0xc1: {  	[dreg:$0x1] =	wrdreg $0xFFFFFFFF  }
0xc2: {  	_ =	task.clear_ibuf [dreg:s7], $0x2FFFF;
	_ =	strace $0x9FFFFFFF  }
0xc3: {  	(tm) =	ssettm $0x7FFFFFFF  }
tec
execute0_lowered:
.L_overlay_start_1:
0x0: {  	(tag) =	ssettag $0x1  }
0x1: {  	s0 =	rddreg [dreg:$0x0]  }
0x2: {  	s2 =	rddreg [dreg:$0x1]  }
0x3: {  	s1 =	rddreg [dreg:$0x2];
	s3 =	simm.s32 $0x0;
	s4 =	srdreg.scid  }
0x4: {  	s20 =	stileid.u32;
	s28 =	simm.s32 $0x100;
	s29 =	simm.s32 $0x180  }
0x5: {  	s30 =	simm.s32 $0x1;
	s31 =	simm.s32 $0x3;
	[smem:$0x7FF] =	sst s3  }
0x6: {  	s10 =	sand.u32 $0x1, s4;
	s6 =	sshll.u32 s20, $0x1;
	s11 =	smul.u32 $0x5, s20  }
0x7: {  	s4 =	sadd.s32 $0x2A800, s0;
	s5 =	sadd.s32 $0x20800, s0;
	s14 =	smul.u32 $0x50, s20  }
0x8: {  	s20 =	smul.u32 $0x14000, s20;
	_ =	strace $0x8000004A;
	s7 =	sor.u32 s10, s6  }
0x9: {  	s6 =	sadd.s32 $0x2800, s0;
	s8 =	ssub.s32 $0x2, s10;
	s17 =	smul.u32 $0x140000, s10  }
0xa: {  	s0 =	sadd.s32 $0x52800, s0;
	s7 =	smul.u32 $0x2800, s7;
	s9 =	sshrl.u32 s8, $0x1  }
0xb: {  	s10 =	sadd.s32 s2, s14;
	s16 =	sadd.s32 $0x1, s11;
	s25 =	sadd.s32 $0x2, s11  }
0xc: {  	s19 =	sadd.s32 $0x3, s11;
	s11 =	sadd.s32 $0x4, s11;
	s12 =	ssub.s32 s8, s9  }
0xd: {  	s24 =	sshll.u32 s16, $0x4;
	s26 =	sshll.u32 s25, $0x4;
	s15 =	sshll.u32 s19, $0x4  }
0xe: {  	s21 =	sshll.u32 s11, $0x4;
	s20 =	sadd.s32 s17, s20;
	s22 =	sshll.u32 s16, $0xE  }
0xf: {  	s11 =	sshll.u32 s11, $0xE;
	s13 =	sshrl.u32 s7, $0x3;
	s12 =	smax.u32 s12, $0x1  }
0x10: {  	s14 =	sadd.s32 s2, s26;
	s15 =	sadd.s32 s2, s15;
	s16 =	sadd.s32 s2, s21  }
0x11: {  	s20 =	sshrl.u32 s20, $0x3;
	s21 =	sadd.s32 s17, s22;
	s11 =	sadd.s32 s17, s11  }
0x12: {  	s8 =	sadd.s32 s5, s13;
	s9 =	sadd.s32 s6, s13;
	s18 =	sadd.s32 $0x4F0, s13  }
0x13: {  	[dreg:$0x4] =	wrdreg s12;
	s13 =	sadd.s32 s2, s24;
	s2 =	sadd.s32 s0, s20  }
0x14: {  	s22 =	sshrl.u32 s21, $0x3;
	s24 =	sshll.u32 s19, $0xE;
	s26 =	sshrl.u32 s11, $0x3  }
0x15: {  	s11 =	simm.s32 $0x0;
	s23 =	sadd.s32 s5, s18;
	s18 =	sadd.s32 s6, s18  }
0x16: {  	[dreg:$0x7] =	wrdreg s2;
	s2 =	sadd.s32 s0, s22;
	s12 =	sadd.s32 s17, s24  }
0x17: {  	s22 =	sadd.s32 s0, s26;
	s24 =	simm.s32 $0x4;
	[dreg:$0x5] =	wrdreg s23  }
0x18: {  	s26 =	simm.s32 $0x280;
	[dreg:$0x6] =	wrdreg s18;
	s23 =	sshll.u32 s25, $0xE  }
0x19: {  	[dreg:$0x8] =	wrdreg s2;
	s12 =	sshrl.u32 s12, $0x3;
	s2 =	sadd.s32 s17, s23  }
0x1a: {  	s25 =	sadd.s32 s0, s12;
	s23 =	simm.s32 $0x200;
	s2 =	sshrl.u32 s2, $0x3  }
0x1b: {  	[dreg:$0xa] =	wrdreg s25;
	s25 =	simm.s32 $0x80;
	s2 =	sadd.s32 s0, s2  }
0x1c: {  	v0 =	vimm.f32 $0.0e+00;
	s0 =	simm.s32 $0x4280;
	[dreg:$0x9] =	wrdreg s2;
	s2 =	simm.s32 $0x2  }
.LBB2_1:
0x1d: {  	s12 =	simm.s32 $0x0;
	s17 =	simm.s32 $0x200  }
.LBB2_2:
0x1e: {  	p0 =	sne.s32 s17, $0xFE00;
	[tilespmem:s12+$0x2F0] =	vst v0  }
0x1f: {  	[tilespmem:s12+$0x280] =	vst v0  }
0x20: {  	[tilespmem:s12+$0x290] =	vst v0  }
.Ltmp0:
0x21: {  	[tilespmem:s12+$0x2A0] =	vst v0;
	(pc) =	sbr.rel @p0 .LBB2_2-.Ltmp0, $4  }
0x22: {  	[tilespmem:s12+$0x2B0] =	vst v0  }
0x23: {  	[tilespmem:s12+$0x2C0] =	vst v0  }
0x24: {  	[tilespmem:s12+$0x2D0] =	vst v0  }
0x25: {  	[tilespmem:s12+$0x2E0] =	vst v0;
	s12 =	sshra.s32 s17, $0x2;
	s17 =	sadd.s32 $0x200, s17  }
0x26: {  	[tilespmem:s12+$0x2F0] =	vst v0  }
0x27: {  	[tilespmem:s12+$0x280] =	vst v0  }
0x28: {  	[tilespmem:s12+$0x290] =	vst v0  }
0x29: {  	[tilespmem:s12+$0x2A0] =	vst v0  }
0x2a: {  	[tilespmem:s12+$0x2B0] =	vst v0  }
0x2b: {  	[tilespmem:s12+$0x2C0] =	vst v0  }
0x2c: {  	[tilespmem:s12+$0x2D0] =	vst v0  }
0x2d: {  	[tilespmem:s12+$0x2E0] =	vst v0;
	s19 =	simm.s32 $0x0  }
0x2e: {  	[tilespmem:s23], [sflag:$0x4] =	stream.linear.gather [hbm4b:s10+s19], $0x80, $0x38;
	[tilespmem:$0x1C280] =	vst v63  }
0x2f: {  	_ =	swait.ge [sflag:s24], $0x80  }
0x30: {  	[sflag:s24] =	ssyncset.done $0x0  }
0x31: {  	[sflag:s24] =	ssyncadd.s32 $0xFFFFFF80  }
0x32: {  	[spmem:s1] =	stream.indirect.scatter [tilespmem:s26], [sflag:$0x4], $0x80, s23, s25, $0xb8;
	[tilespmem:$0x1C280] =	vst v63  }
0x33: {  	_ =	swait.ge [sflag:s24], $0x4000  }
0x34: {  	[sflag:s24] =	ssyncset.done $0x0  }
0x35: {  	[sflag:s24] =	ssyncadd.s32 $0xFFFFC000  }
0x36: {  	[tilespmem:s23], [sflag:$0x4] =	stream.linear.gather [hbm4b:s13+s19], $0x80, $0x38;
	[tilespmem:$0x1C280] =	vst v63  }
0x37: {  	_ =	swait.ge [sflag:s24], $0x80  }
0x38: {  	[sflag:s24] =	ssyncset.done $0x0  }
0x39: {  	[sflag:s24] =	ssyncadd.s32 $0xFFFFFF80  }
0x3a: {  	[spmem:s1] =	stream.indirect.scatter [tilespmem:s26], [sflag:$0x4], $0x80, s23, s25, $0xb8;
	[tilespmem:$0x1C280] =	vst v63  }
0x3b: {  	_ =	swait.ge [sflag:s24], $0x4000  }
0x3c: {  	[sflag:s24] =	ssyncset.done $0x0  }
0x3d: {  	[sflag:s24] =	ssyncadd.s32 $0xFFFFC000  }
0x3e: {  	[tilespmem:s23], [sflag:$0x4] =	stream.linear.gather [hbm4b:s14+s19], $0x80, $0x38;
	[tilespmem:$0x1C280] =	vst v63  }
0x3f: {  	_ =	swait.ge [sflag:s24], $0x80  }
0x40: {  	[sflag:s24] =	ssyncset.done $0x0  }
0x41: {  	[sflag:s24] =	ssyncadd.s32 $0xFFFFFF80  }
0x42: {  	[spmem:s1] =	stream.indirect.scatter [tilespmem:s26], [sflag:$0x4], $0x80, s23, s25, $0xb8;
	[tilespmem:$0x1C280] =	vst v63  }
0x43: {  	_ =	swait.ge [sflag:s24], $0x4000  }
0x44: {  	[sflag:s24] =	ssyncset.done $0x0  }
0x45: {  	[sflag:s24] =	ssyncadd.s32 $0xFFFFC000  }
0x46: {  	[tilespmem:s23], [sflag:$0x4] =	stream.linear.gather [hbm4b:s15+s19], $0x80, $0x38;
	[tilespmem:$0x1C280] =	vst v63  }
0x47: {  	_ =	swait.ge [sflag:s24], $0x80  }
0x48: {  	[sflag:s24] =	ssyncset.done $0x0  }
0x49: {  	[sflag:s24] =	ssyncadd.s32 $0xFFFFFF80  }
0x4a: {  	[spmem:s1] =	stream.indirect.scatter [tilespmem:s26], [sflag:$0x4], $0x80, s23, s25, $0xb8;
	[tilespmem:$0x1C280] =	vst v63  }
0x4b: {  	_ =	swait.ge [sflag:s24], $0x4000  }
0x4c: {  	[sflag:s24] =	ssyncset.done $0x0  }
0x4d: {  	[sflag:s24] =	ssyncadd.s32 $0xFFFFC000  }
0x4e: {  	[tilespmem:s23], [sflag:$0x4] =	stream.linear.gather [hbm4b:s16+s19], $0x80, $0x38;
	[tilespmem:$0x1C280] =	vst v63  }
0x4f: {  	_ =	swait.ge [sflag:s24], $0x80  }
0x50: {  	[sflag:s24] =	ssyncset.done $0x0  }
0x51: {  	[sflag:s24] =	ssyncadd.s32 $0xFFFFFF80  }
0x52: {  	[spmem:s1] =	stream.indirect.scatter [tilespmem:s26], [sflag:$0x4], $0x80, s23, s25, $0xb8;
	[tilespmem:$0x1C280] =	vst v63  }
0x53: {  	_ =	swait.ge [sflag:s24], $0x4000  }
0x54: {  	[sflag:s24] =	ssyncset.done $0x0  }
0x55: {  	[sflag:s24] =	ssyncadd.s32 $0xFFFFC000  }
0x56: {  	[bflag:$0x0] =	sbarrier.arrive $0xFFFF  }
0x57: {  	[tilespmem:s19], [sflag:$0x4] =	stream.linear.gather [hbm4b:s8+s19], $0x80, $0x38;
	[tilespmem:$0x1C280] =	vst v63  }
0x58: {  	_ =	swait.ge [sflag:s24], $0x80  }
0x59: {  	s17 =	sand.u32 $0x3C00, s19;
	[sflag:s24] =	ssyncset.done $0x0  }
0x5a: {  	s12 =	sand.u32 $0x300, s19;
	s17 =	sadd.s32 s7, s17;
	[sflag:s24] =	ssyncadd.s32 $0xFFFFFF80  }
0x5b: {  	[tilespmem:s28], [sflag:$0x4] =	stream.linear.gather [hbm4b:s9+s19], $0x80, $0x38;
	[tilespmem:$0x1C280] =	vst v63  }
0x5c: {  	s12 =	sor.u32 s17, s12;
	_ =	swait.ge [sflag:s24], $0x80  }
0x5d: {  	s12 =	sor.u32 $0x80, s12;
	[sflag:s24] =	ssyncset.done $0x0  }
0x5e: {  	s12 =	sshrl.u32 s12, $0x3;
	[sflag:s24] =	ssyncadd.s32 $0xFFFFFF80  }
0x5f: {  	[tilespmem:s26], [sflag:$0x1] =	stream.indirect.gather [hbm4b:s4+s25], $0x80, s19, s25, $0xb8;
	[tilespmem:$0x1C280] =	vst v63  }
0x60: {  	s20 =	sadd.s32 s5, s12  }
0x61: {  	[tilespmem:s25], [sflag:$0x3] =	stream.linear.gather [hbm4b:s20+s3], $0x80, $0x38;
	[tilespmem:$0x1C280] =	vst v63  }
0x62: {  	s12 =	sadd.s32 s6, s12  }
0x63: {  	[tilespmem:s29], [sflag:$0x3] =	stream.linear.gather [hbm4b:s12+s3], $0x80, $0x38;
	[tilespmem:$0x1C280] =	vst v63  }
0x64: {  	_ =	swait.ge [sflag:s30], $0x4000  }
0x65: {  	[sflag:s30] =	ssyncset.done $0x0  }
0x66: {  	[sflag:s30] =	ssyncadd.s32 $0xFFFFC000  }
0x67: {  	_ =	swait.ge [sflag:s31], $0x80  }
0x68: {  	[sflag:s31] =	ssyncset.done $0x0  }
0x69: {  	[sflag:s31] =	ssyncadd.s32 $0xFFFFFF80  }
0x6a: {  	_ =	swait.ge [sflag:s31], $0x80  }
0x6b: {  	s21 =	simm.s32 $0x100;
	[sflag:s31] =	ssyncset.done $0x0  }
0x6c: {  	s18 =	sand.u32 $0x3C00, s21;
	[sflag:s31] =	ssyncadd.s32 $0xFFFFFF80  }
0x6d: {  	[tilespmem:s0], [sflag:$0x2] =	stream.indirect.gather [hbm4b:s4+s25], $0x80, s25, s25, $0xb8;
	[tilespmem:$0x1C280] =	vst v63  }
0x6e: {  	s17 =	sadd.s32 s7, s18;
	s18 =	sand.u32 $0x300, s21  }
0x6f: {  	[spmem:s1] =	stream.indirect.scatter.add.f32 [tilespmem:s26], [sflag:$0x4], $0x80, s28, s25, $0xb8;
	[tilespmem:$0x1C280] =	vst v63  }
0x70: {  	s17 =	sor.u32 s18, s17;
	_ =	swait.ge [sflag:s24], $0x4000  }
0x71: {  	s17 =	sshrl.u32 s17, $0x3;
	[sflag:s24] =	ssyncset.done $0x0  }
0x72: {  	s19 =	sadd.s32 s5, s17;
	[sflag:s24] =	ssyncadd.s32 $0xFFFFC000  }
0x73: {  	[tilespmem:s3], [sflag:$0x3] =	stream.linear.gather [hbm4b:s19+s3], $0x80, $0x38;
	[tilespmem:$0x1C280] =	vst v63  }
0x74: {  	s17 =	sadd.s32 s6, s17  }
0x75: {  	[tilespmem:s28], [sflag:$0x3] =	stream.linear.gather [hbm4b:s17+s3], $0x80, $0x38;
	[tilespmem:$0x1C280] =	vst v63  }
0x76: {  	_ =	swait.ge [sflag:s2], $0x4000  }
0x77: {  	[sflag:s2] =	ssyncset.done $0x0  }
0x78: {  	[sflag:s2] =	ssyncadd.s32 $0xFFFFC000  }
0x79: {  	s17 =	simm.s32 $0x200;
	_ =	swait.ge [sflag:s31], $0x80  }
0x7a: {  	s12 =	sand.u32 $0x300, s21;
	s20 =	sand.u32 $0x3C00, s17;
	[sflag:s31] =	ssyncset.done $0x0  }
0x7b: {  	s18 =	sadd.s32 s7, s20;
	s20 =	sand.u32 $0x3C00, s21;
	[sflag:s31] =	ssyncadd.s32 $0xFFFFFF80  }
0x7c: {  	s19 =	sand.u32 $0x300, s17;
	s20 =	sadd.s32 s7, s20;
	_ =	swait.ge [sflag:s31], $0x80  }
0x7d: {  	s18 =	sor.u32 s19, s18;
	s21 =	sor.u32 s20, s12;
	[sflag:s31] =	ssyncset.done $0x0  }
0x7e: {  	s12 =	sshrl.u32 s18, $0x3;
	s19 =	sor.u32 $0x80, s21;
	[sflag:s31] =	ssyncadd.s32 $0xFFFFFF80  }
.LBB2_4:
0x7f: {  	[tilespmem:s26], [sflag:$0x1] =	stream.indirect.gather [hbm4b:s4+s25], $0x80, s3, s25, $0xb8;
	[tilespmem:$0x1C280] =	vst v63  }
0x80: {  	s18 =	smov.u32 s17  }
0x81: {  	p0 =	sne.s32 s17, $0x2600;
	s17 =	sadd.s32 $0x100, s17;
	s19 =	sshrl.u32 s19, $0x3  }
0x82: {  	[spmem:s1] =	stream.indirect.scatter.add.f32 [tilespmem:s0], [sflag:$0x4], $0x80, s29, s25, $0xb8;
	[tilespmem:$0x1C280] =	vst v63  }
0x83: {  	s20 =	sand.u32 $0x3C00, s17;
	_ =	swait.ge [sflag:s24], $0x4000  }
0x84: {  	s21 =	sand.u32 $0x300, s17;
	s20 =	sadd.s32 s7, s20;
	[sflag:s24] =	ssyncset.done $0x0  }
0x85: {  	s20 =	sor.u32 s21, s20;
	s21 =	sadd.s32 s5, s19;
	[sflag:s24] =	ssyncadd.s32 $0xFFFFC000  }
0x86: {  	[tilespmem:s25], [sflag:$0x3] =	stream.linear.gather [hbm4b:s21+s3], $0x80, $0x38;
	[tilespmem:$0x1C280] =	vst v63  }
0x87: {  	s19 =	sadd.s32 s6, s19;
	s20 =	sshrl.u32 s20, $0x3  }
0x88: {  	[tilespmem:s29], [sflag:$0x3] =	stream.linear.gather [hbm4b:s19+s3], $0x80, $0x38;
	[tilespmem:$0x1C280] =	vst v63  }
0x89: {  	_ =	swait.ge [sflag:s30], $0x4000  }
0x8a: {  	[sflag:s30] =	ssyncset.done $0x0  }
0x8b: {  	[sflag:s30] =	ssyncadd.s32 $0xFFFFC000  }
0x8c: {  	_ =	swait.ge [sflag:s31], $0x80  }
0x8d: {  	[sflag:s31] =	ssyncset.done $0x0  }
0x8e: {  	[sflag:s31] =	ssyncadd.s32 $0xFFFFFF80  }
0x8f: {  	_ =	swait.ge [sflag:s31], $0x80  }
0x90: {  	[sflag:s31] =	ssyncset.done $0x0  }
0x91: {  	[sflag:s31] =	ssyncadd.s32 $0xFFFFFF80  }
0x92: {  	[tilespmem:s0], [sflag:$0x2] =	stream.indirect.gather [hbm4b:s4+s25], $0x80, s25, s25, $0xb8;
	[tilespmem:$0x1C280] =	vst v63  }
0x93: {  	_ = 	snop  }
0x94: {  	[spmem:s1] =	stream.indirect.scatter.add.f32 [tilespmem:s26], [sflag:$0x4], $0x80, s28, s25, $0xb8;
	[tilespmem:$0x1C280] =	vst v63  }
0x95: {  	_ =	swait.ge [sflag:s24], $0x4000  }
0x96: {  	[sflag:s24] =	ssyncset.done $0x0  }
0x97: {  	s19 =	sadd.s32 s5, s12;
	[sflag:s24] =	ssyncadd.s32 $0xFFFFC000  }
0x98: {  	[tilespmem:s3], [sflag:$0x3] =	stream.linear.gather [hbm4b:s19+s3], $0x80, $0x38;
	[tilespmem:$0x1C280] =	vst v63  }
0x99: {  	s19 =	sadd.s32 s6, s12;
	s12 =	smov.u32 s20  }
0x9a: {  	[tilespmem:s28], [sflag:$0x3] =	stream.linear.gather [hbm4b:s19+s3], $0x80, $0x38;
	[tilespmem:$0x1C280] =	vst v63  }
0x9b: {  	_ =	swait.ge [sflag:s2], $0x4000  }
0x9c: {  	[sflag:s2] =	ssyncset.done $0x0  }
0x9d: {  	[sflag:s2] =	ssyncadd.s32 $0xFFFFC000  }
0x9e: {  	_ =	swait.ge [sflag:s31], $0x80  }
0x9f: {  	[sflag:s31] =	ssyncset.done $0x0  }
.Ltmp1:
0xa0: {  	s19 =	sand.u32 $0x3C00, s18;
	[sflag:s31] =	ssyncadd.s32 $0xFFFFFF80;
	(pc) =	sbr.rel @p0 .LBB2_4-.Ltmp1, $4  }
0xa1: {  	_ =	swait.ge [sflag:s31], $0x80  }
0xa2: {  	s18 =	sand.u32 $0x300, s18;
	s19 =	sadd.s32 s7, s19;
	[sflag:s31] =	ssyncset.done $0x0  }
0xa3: {  	s18 =	sor.u32 s19, s18;
	[sflag:s31] =	ssyncadd.s32 $0xFFFFFF80  }
0xa4: {  	s19 =	sor.u32 $0x80, s18  }
0xa5: {  	[tilespmem:s26], [sflag:$0x1] =	stream.indirect.gather [hbm4b:s4+s25], $0x80, s3, s25, $0xb8;
	[tilespmem:$0x1C280] =	vst v63  }
0xa6: {  	_ = 	snop  }
0xa7: {  	[spmem:s1] =	stream.indirect.scatter.add.f32 [tilespmem:s0], [sflag:$0x4], $0x80, s29, s25, $0xb8;
	[tilespmem:$0x1C280] =	vst v63  }
0xa8: {  	_ =	swait.ge [sflag:s24], $0x4000  }
0xa9: {  	s17 =	sshrl.u32 s19, $0x3;
	[sflag:s24] =	ssyncset.done $0x0  }
0xaa: {  	s18 =	sadd.s32 s5, s17;
	[sflag:s24] =	ssyncadd.s32 $0xFFFFC000  }
0xab: {  	[tilespmem:s25], [sflag:$0x3] =	stream.linear.gather [hbm4b:s18+s3], $0x80, $0x38;
	[tilespmem:$0x1C280] =	vst v63  }
0xac: {  	s17 =	sadd.s32 s6, s17  }
0xad: {  	[tilespmem:s29], [sflag:$0x3] =	stream.linear.gather [hbm4b:s17+s3], $0x80, $0x38;
	[tilespmem:$0x1C280] =	vst v63  }
0xae: {  	_ =	swait.ge [sflag:s30], $0x4000  }
0xaf: {  	[sflag:s30] =	ssyncset.done $0x0  }
0xb0: {  	[sflag:s30] =	ssyncadd.s32 $0xFFFFC000  }
0xb1: {  	_ =	swait.ge [sflag:s31], $0x80  }
0xb2: {  	[sflag:s31] =	ssyncset.done $0x0  }
0xb3: {  	[sflag:s31] =	ssyncadd.s32 $0xFFFFFF80  }
0xb4: {  	_ =	swait.ge [sflag:s31], $0x80  }
0xb5: {  	[sflag:s31] =	ssyncset.done $0x0  }
0xb6: {  	[sflag:s31] =	ssyncadd.s32 $0xFFFFFF80  }
0xb7: {  	[tilespmem:s0], [sflag:$0x2] =	stream.indirect.gather [hbm4b:s4+s25], $0x80, s25, s25, $0xb8;
	[tilespmem:$0x1C280] =	vst v63  }
0xb8: {  	_ = 	snop  }
0xb9: {  	[spmem:s1] =	stream.indirect.scatter.add.f32 [tilespmem:s26], [sflag:$0x4], $0x80, s28, s25, $0xb8;
	[tilespmem:$0x1C280] =	vst v63  }
0xba: {  	_ =	swait.ge [sflag:s24], $0x4000  }
0xbb: {  	[sflag:s24] =	ssyncset.done $0x0  }
0xbc: {  	s18 =	sadd.s32 s5, s12;
	[sflag:s24] =	ssyncadd.s32 $0xFFFFC000  }
0xbd: {  	[tilespmem:s3], [sflag:$0x3] =	stream.linear.gather [hbm4b:s18+s3], $0x80, $0x38;
	[tilespmem:$0x1C280] =	vst v63  }
0xbe: {  	s19 =	sadd.s32 s6, s12  }
0xbf: {  	[tilespmem:s28], [sflag:$0x3] =	stream.linear.gather [hbm4b:s19+s3], $0x80, $0x38;
	[tilespmem:$0x1C280] =	vst v63  }
0xc0: {  	_ =	swait.ge [sflag:s2], $0x4000  }
0xc1: {  	[sflag:s2] =	ssyncset.done $0x0  }
0xc2: {  	[sflag:s2] =	ssyncadd.s32 $0xFFFFC000  }
0xc3: {  	_ =	swait.ge [sflag:s31], $0x80  }
0xc4: {  	[sflag:s31] =	ssyncset.done $0x0  }
0xc5: {  	[sflag:s31] =	ssyncadd.s32 $0xFFFFFF80  }
0xc6: {  	_ =	swait.ge [sflag:s31], $0x80  }
0xc7: {  	[sflag:s31] =	ssyncset.done $0x0  }
0xc8: {  	[sflag:s31] =	ssyncadd.s32 $0xFFFFFF80  }
0xc9: {  	[tilespmem:s26], [sflag:$0x1] =	stream.indirect.gather [hbm4b:s4+s25], $0x80, s3, s25, $0xb8;
	[tilespmem:$0x1C280] =	vst v63  }
0xca: {  	_ = 	snop  }
0xcb: {  	[spmem:s1] =	stream.indirect.scatter.add.f32 [tilespmem:s0], [sflag:$0x4], $0x80, s29, s25, $0xb8;
	[tilespmem:$0x1C280] =	vst v63  }
0xcc: {  	_ =	swait.ge [sflag:s24], $0x4000  }
0xcd: {  	[sflag:s24] =	ssyncset.done $0x0  }
0xce: {  	s20 =	rddreg [dreg:$0x5];
	[sflag:s24] =	ssyncadd.s32 $0xFFFFC000  }
0xcf: {  	[tilespmem:s25], [sflag:$0x3] =	stream.linear.gather [hbm4b:s20+s3], $0x80, $0x38;
	[tilespmem:$0x1C280] =	vst v63  }
0xd0: {  	s21 =	rddreg [dreg:$0x6]  }
0xd1: {  	[tilespmem:s29], [sflag:$0x3] =	stream.linear.gather [hbm4b:s21+s3], $0x80, $0x38;
	[tilespmem:$0x1C280] =	vst v63  }
0xd2: {  	_ =	swait.ge [sflag:s30], $0x4000  }
0xd3: {  	[sflag:s30] =	ssyncset.done $0x0  }
0xd4: {  	[sflag:s30] =	ssyncadd.s32 $0xFFFFC000  }
0xd5: {  	_ =	swait.ge [sflag:s31], $0x80  }
0xd6: {  	[sflag:s31] =	ssyncset.done $0x0  }
0xd7: {  	[sflag:s31] =	ssyncadd.s32 $0xFFFFFF80  }
0xd8: {  	_ =	swait.ge [sflag:s31], $0x80  }
0xd9: {  	[sflag:s31] =	ssyncset.done $0x0  }
0xda: {  	[sflag:s31] =	ssyncadd.s32 $0xFFFFFF80  }
0xdb: {  	[tilespmem:s0], [sflag:$0x2] =	stream.indirect.gather [hbm4b:s4+s25], $0x80, s25, s25, $0xb8;
	[tilespmem:$0x1C280] =	vst v63  }
0xdc: {  	_ = 	snop  }
0xdd: {  	[spmem:s1] =	stream.indirect.scatter.add.f32 [tilespmem:s26], [sflag:$0x4], $0x80, s28, s25, $0xb8;
	[tilespmem:$0x1C280] =	vst v63  }
0xde: {  	_ =	swait.ge [sflag:s24], $0x4000  }
0xdf: {  	[sflag:s24] =	ssyncset.done $0x0  }
0xe0: {  	[sflag:s24] =	ssyncadd.s32 $0xFFFFC000  }
0xe1: {  	[tilespmem:s3], [sflag:$0x3] =	stream.linear.gather [hbm4b:s8+s3], $0x80, $0x38;
	[tilespmem:$0x1C280] =	vst v63  }
0xe2: {  	_ = 	snop  }
0xe3: {  	[tilespmem:s28], [sflag:$0x3] =	stream.linear.gather [hbm4b:s9+s3], $0x80, $0x38;
	[tilespmem:$0x1C280] =	vst v63  }
0xe4: {  	_ =	swait.ge [sflag:s2], $0x4000  }
0xe5: {  	[sflag:s2] =	ssyncset.done $0x0  }
0xe6: {  	[sflag:s2] =	ssyncadd.s32 $0xFFFFC000  }
0xe7: {  	_ =	swait.ge [sflag:s31], $0x80  }
0xe8: {  	[sflag:s31] =	ssyncset.done $0x0  }
0xe9: {  	[sflag:s31] =	ssyncadd.s32 $0xFFFFFF80  }
0xea: {  	_ =	swait.ge [sflag:s31], $0x80  }
0xeb: {  	[sflag:s31] =	ssyncset.done $0x0  }
0xec: {  	[sflag:s31] =	ssyncadd.s32 $0xFFFFFF80  }
0xed: {  	[tilespmem:s26], [sflag:$0x1] =	stream.indirect.gather [hbm4b:s4+s25], $0x80, s3, s25, $0xb8;
	[tilespmem:$0x1C280] =	vst v63  }
0xee: {  	_ = 	snop  }
0xef: {  	[spmem:s1] =	stream.indirect.scatter.add.f32 [tilespmem:s0], [sflag:$0x4], $0x80, s29, s25, $0xb8;
	[tilespmem:$0x1C280] =	vst v63  }
0xf0: {  	_ =	swait.ge [sflag:s24], $0x4000  }
0xf1: {  	[sflag:s24] =	ssyncset.done $0x0  }
0xf2: {  	[sflag:s24] =	ssyncadd.s32 $0xFFFFC000  }
0xf3: {  	_ =	swait.ge [sflag:s30], $0x4000  }
0xf4: {  	[sflag:s30] =	ssyncset.done $0x0  }
0xf5: {  	[sflag:s30] =	ssyncadd.s32 $0xFFFFC000  }
0xf6: {  	[bflag:$0x0] =	sbarrier.arrive $0xFFFF  }
0xf7: {  	[tilespmem:s23], [sflag:$0x4] =	stream.linear.gather [hbm4b:s10+s3], $0x80, $0x38;
	[tilespmem:$0x1C280] =	vst v63  }
0xf8: {  	_ =	swait.ge [sflag:s24], $0x80  }
0xf9: {  	[sflag:s24] =	ssyncset.done $0x0  }
0xfa: {  	[sflag:s24] =	ssyncadd.s32 $0xFFFFFF80  }
0xfb: {  	[tilespmem:s26], [sflag:$0x1] =	stream.indirect.gather [spmem:s1], $0x80, s23, s25, $0xb8;
	[tilespmem:$0x1C280] =	vst v63  }
0xfc: {  	_ =	swait.ge [sflag:s30], $0x4000  }
0xfd: {  	[sflag:s30] =	ssyncset.done $0x0  }
0xfe: {  	s17 =	rddreg [dreg:$0x7];
	[sflag:s30] =	ssyncadd.s32 $0xFFFFC000  }
0xff: {  	[hbm4b:s17+s3] =	stream.linear.scatter [tilespmem:s26], [sflag:$0x4], $0x4000, $0x38;
	[tilespmem:$0x1C280] =	vst v63  }
0x100: {  	_ =	swait.ge [sflag:s24], $0x4000  }
0x101: {  	[sflag:s24] =	ssyncset.done $0x0  }
0x102: {  	[sflag:s24] =	ssyncadd.s32 $0xFFFFC000  }
0x103: {  	[tilespmem:s23], [sflag:$0x4] =	stream.linear.gather [hbm4b:s13+s3], $0x80, $0x38;
	[tilespmem:$0x1C280] =	vst v63  }
0x104: {  	_ =	swait.ge [sflag:s24], $0x80  }
0x105: {  	[sflag:s24] =	ssyncset.done $0x0  }
0x106: {  	[sflag:s24] =	ssyncadd.s32 $0xFFFFFF80  }
0x107: {  	[tilespmem:s26], [sflag:$0x1] =	stream.indirect.gather [spmem:s1], $0x80, s23, s25, $0xb8;
	[tilespmem:$0x1C280] =	vst v63  }
0x108: {  	_ =	swait.ge [sflag:s30], $0x4000  }
0x109: {  	[sflag:s30] =	ssyncset.done $0x0  }
0x10a: {  	s18 =	rddreg [dreg:$0x8];
	[sflag:s30] =	ssyncadd.s32 $0xFFFFC000  }
0x10b: {  	[hbm4b:s18+s3] =	stream.linear.scatter [tilespmem:s26], [sflag:$0x4], $0x4000, $0x38;
	[tilespmem:$0x1C280] =	vst v63  }
0x10c: {  	_ =	swait.ge [sflag:s24], $0x4000  }
0x10d: {  	[sflag:s24] =	ssyncset.done $0x0  }
0x10e: {  	[sflag:s24] =	ssyncadd.s32 $0xFFFFC000  }
0x10f: {  	[tilespmem:s23], [sflag:$0x4] =	stream.linear.gather [hbm4b:s14+s3], $0x80, $0x38;
	[tilespmem:$0x1C280] =	vst v63  }
0x110: {  	_ =	swait.ge [sflag:s24], $0x80  }
0x111: {  	[sflag:s24] =	ssyncset.done $0x0  }
0x112: {  	[sflag:s24] =	ssyncadd.s32 $0xFFFFFF80  }
0x113: {  	[tilespmem:s26], [sflag:$0x1] =	stream.indirect.gather [spmem:s1], $0x80, s23, s25, $0xb8;
	[tilespmem:$0x1C280] =	vst v63  }
0x114: {  	_ =	swait.ge [sflag:s30], $0x4000  }
0x115: {  	[sflag:s30] =	ssyncset.done $0x0  }
0x116: {  	s19 =	rddreg [dreg:$0x9];
	[sflag:s30] =	ssyncadd.s32 $0xFFFFC000  }
0x117: {  	[hbm4b:s19+s3] =	stream.linear.scatter [tilespmem:s26], [sflag:$0x4], $0x4000, $0x38;
	[tilespmem:$0x1C280] =	vst v63  }
0x118: {  	_ =	swait.ge [sflag:s24], $0x4000  }
0x119: {  	[sflag:s24] =	ssyncset.done $0x0  }
0x11a: {  	[sflag:s24] =	ssyncadd.s32 $0xFFFFC000  }
0x11b: {  	[tilespmem:s23], [sflag:$0x4] =	stream.linear.gather [hbm4b:s15+s3], $0x80, $0x38;
	[tilespmem:$0x1C280] =	vst v63  }
0x11c: {  	_ =	swait.ge [sflag:s24], $0x80  }
0x11d: {  	[sflag:s24] =	ssyncset.done $0x0  }
0x11e: {  	[sflag:s24] =	ssyncadd.s32 $0xFFFFFF80  }
0x11f: {  	[tilespmem:s26], [sflag:$0x1] =	stream.indirect.gather [spmem:s1], $0x80, s23, s25, $0xb8;
	[tilespmem:$0x1C280] =	vst v63  }
0x120: {  	_ =	swait.ge [sflag:s30], $0x4000  }
0x121: {  	[sflag:s30] =	ssyncset.done $0x0  }
0x122: {  	s20 =	rddreg [dreg:$0xa];
	[sflag:s30] =	ssyncadd.s32 $0xFFFFC000  }
0x123: {  	[hbm4b:s20+s3] =	stream.linear.scatter [tilespmem:s26], [sflag:$0x4], $0x4000, $0x38;
	[tilespmem:$0x1C280] =	vst v63  }
0x124: {  	_ =	swait.ge [sflag:s24], $0x4000  }
0x125: {  	[sflag:s24] =	ssyncset.done $0x0  }
0x126: {  	[sflag:s24] =	ssyncadd.s32 $0xFFFFC000  }
0x127: {  	[tilespmem:s23], [sflag:$0x4] =	stream.linear.gather [hbm4b:s16+s3], $0x80, $0x38;
	[tilespmem:$0x1C280] =	vst v63  }
0x128: {  	_ =	swait.ge [sflag:s24], $0x80  }
0x129: {  	[sflag:s24] =	ssyncset.done $0x0  }
0x12a: {  	[sflag:s24] =	ssyncadd.s32 $0xFFFFFF80  }
0x12b: {  	[tilespmem:s26], [sflag:$0x1] =	stream.indirect.gather [spmem:s1], $0x80, s23, s25, $0xb8;
	[tilespmem:$0x1C280] =	vst v63  }
0x12c: {  	_ =	swait.ge [sflag:s30], $0x4000  }
0x12d: {  	[sflag:s30] =	ssyncset.done $0x0  }
0x12e: {  	[sflag:s30] =	ssyncadd.s32 $0xFFFFC000  }
0x12f: {  	[hbm4b:s22+s3] =	stream.linear.scatter [tilespmem:s26], [sflag:$0x4], $0x4000, $0x38;
	[tilespmem:$0x1C280] =	vst v63  }
0x130: {  	_ =	swait.ge [sflag:s24], $0x4000  }
0x131: {  	s11 =	sadd.s32 $0x1, s11;
	s21 =	rddreg [dreg:$0x4]  }
0x132: {  	p0 =	sne.s32 s11, s21  }
.Ltmp2:
0x133: {  	_ = 	snop;
	(pc) =	sbr.rel @p0 .LBB2_1-.Ltmp2, $3  }
0x134: {  	_ =	sdelay $0x1  }
0x135: {  	[sflag:s24] =	ssyncset.done $0x0  }
0x136: {  	[sflag:s24] =	ssyncadd.s32 $0xFFFFC000  }
0x137: {  	_ =	sfence.sel $0x180000  }
0x138: {  	[bflag:$0x0] =	sbarrier.arrive $0xFFFF  }
0x139: {  	_ =	strace $0x9000004A  }
0x13a: {  	s0 =	stileid.u32;
	[bflag:$0x2] =	sbarrier.arrive $0xFFFF  }
0x13b: {  	p0 =	sne.s32 s0, $0x0;
	s0 =	rddreg [dreg:$0x3]  }
0x13c: {  	s0 =	sadd.s32 @!p0 $0x100000, s0  }
0x13d: {  	[sflag:s0] =	ssyncadd.tile.s32 @!p0 $0x1;
	_ =	shalt  }
.Lfunc_end2:
_tile_overlayer_lowered:
.L_overlay_start_2:
0x13e: {  	(tag) =	ssettag $0x2  }
0x13f: {  	s0 =	rddreg [dreg:$0x0];
	s2 =	stileid.u32  }
0x140: {  	s1 =	rddreg [dreg:$0x1];
	p0 =	sne.s32 s2, $0x0  }
0x141: {  	s3 =	rddreg [dreg:$0x2];
	[bflag:$0x3] =	sbarrier.arrive $0xFFFF;
	s2 =	simm.s32 @!p0 $0x1C04  }
0x142: {  	[timem:s3], [sflag:s2] =	dma.local @!p0 [hbm:s0], s1  }
0x143: {  	s0 =	simm.s32 @!p0 $0x4  }
0x144: {  	_ =	swait.ge @!p0 [sflag:s0], s1  }
0x145: {  	s1 =	ssub.s32 @!p0 $0x0, s1;
	[sflag:s0] =	ssyncset.done @!p0 $0x0  }
0x146: {  	[sflag:s0] =	ssyncadd.s32 @!p0 s1  }
0x147: {  	[bflag:$0x3] =	sbarrier.arrive $0xFFFF  }
0x148: {  	_ =	shalt  }

// kernel: kernel.14.cloned.1.call-start
scs
__scs_entry_jumppad:
0x0: {  	(pc) =	sbr.rel $0x88, $3  }
0x1: {  	(tag) =	ssettag $0x0;
	lr =	simm.s32 $0x1  }
0x2: {  	[smem:$0x3F99] =	sst lr;
	_ =	strace $0xD0000000  }
0x3: {  	_ = 	snop  }
0x4: {  	_ = 	snop  }
0x5: {  	_ = 	snop  }
0x6: {  	_ = 	snop  }
0x7: {  	_ = 	snop  }
__scs_overlays_trampoline_lowered:
0x8: {  	[smem:$0x3FA8] =	sst s0  }
0x9: {  	[smem:$0x3FA9] =	sst s1  }
0xa: {  	[smem:$0x3FAA] =	sst s2  }
0xb: {  	[smem:$0x3FAB] =	sst s3  }
0xc: {  	[smem:$0x3FAC] =	sst s4  }
0xd: {  	[smem:$0x3FAD] =	sst s5  }
0xe: {  	[smem:$0x3FAE] =	sst s6  }
0xf: {  	[smem:$0x3FAF] =	sst s7  }
0x10: {  	[smem:$0x3FB0] =	sst s8  }
0x11: {  	[smem:$0x3FB1] =	sst s9;
	s0 =	simm.s32 @!p0 $0x0  }
0x12: {  	s1 =	sld [smem:$0x3F97];
	s0 =	simm.s32 @p0 $0x1  }
0x13: {  	[smem:$0x3FB2] =	sst s0;
	s0 =	simm.s32 @!p1 $0x0  }
0x14: {  	s2 =	sld [smem:$0x3F96];
	s0 =	simm.s32 @p1 $0x1  }
0x15: {  	[smem:$0x3FB3] =	sst s0;
	s0 =	simm.s32 @!p2 $0x0  }
0x16: {  	s3 =	sld [smem:$0x3FDB];
	s0 =	simm.s32 @p2 $0x1  }
0x17: {  	s4 =	simm.s32 $0x1BF5;
	[smem:$0x3FB5] =	sst s0  }
0x18: {  	s0 =	sld [smem:$0x3F98];
	_ =	swait.ge [sflag:s4], $0x0  }
0x19: {  	s7 =	sld [smem:$0x3F99]  }
0x1a: {  	s8 =	sadd.s32 $0xFFFFE003, lr  }
0x1b: {  	s9 =	sadd.s32 $0xFFFFFEF7, lr;
	s5 =	simm.s32 $0xFFFFFFFF;
	p2 =	slt.u32 s8, $0xFFFFF086  }
0x1c: {  	p1 =	slt.u32 s9, $0xF7A;
	s5 =	simm.s32 @!p2 $0x0  }
0x1d: {  	s5 =	simm.s32 @p1 $0x1;
	p0 =	seq.s32 s7, s2  }
0x1e: {  	s7 =	smul.u32 @!p0 $0xF7A, s2;
	p2 =	seq.s32 @!p0 s5, $0x0  }
0x1f: {  	s9 =	smul.u32 $0xF7A, s1;
	s8 =	simm.s32 @!p0 $0x1BF5;
	p2 =	por !p2, p0  }
0x20: {  	[sflag:s8] =	ssyncset.s32 @!p0 $0xFFFFF086;
	s6 =	sadd.s32 @!p0 s3, s7;
	s7 =	simm.s32 @!p0 $0x108  }
0x21: {  	s3 =	sadd.s32 s3, s9;
	s6 =	sadd.s32 @!p0 $0x88, s6;
	s7 =	simm.s32 @p2 $0x1082  }
0x22: {  	[simem:s7], [sflag:s8] =	dma.local @!p0 [hbm:s6], $0xF7A  }
0x23: {  	s9 =	sor.u32 $0xD0000000, s2;
	s6 =	simm.s32 $0x108;
	_ =	swait.ge @!p0 [sflag:s8], $0x0  }
0x24: {  	s3 =	sadd.s32 $0x88, s3;
	s6 =	simm.s32 @!p1 $0x1082;
	[sflag:s4] =	ssyncset.s32 $0xFFFFF086  }
0x25: {  	[simem:s6], [sflag:s4] =	dma.local [hbm:s3], $0xF7A  }
0x26: {  	[smem:$0x3F99] =	sst s1;
	(tag) =	ssettag s2;
	_ =	strace s9  }
0x27: {  	s1 =	sld [smem:$0x3FA9]  }
0x28: {  	s2 =	sld [smem:$0x3FAA]  }
0x29: {  	s4 =	sld [smem:$0x3FAC]  }
0x2a: {  	p0 =	seq.s32 s5, $0x0;
	s5 =	sld [smem:$0x3FAD]  }
0x2b: {  	s6 =	sld [smem:$0x3FAE]  }
0x2c: {  	s7 =	sld [smem:$0x3FAF]  }
0x2d: {  	s3 =	simm.s32 $0x108;
	s8 =	sld [smem:$0x3FB0]  }
0x2e: {  	s3 =	simm.s32 @!p0 $0x1082;
	s9 =	sld [smem:$0x3FB1]  }
0x2f: {  	lr =	sadd.s32 s0, s3;
	s0 =	sld [smem:$0x3FA8]  }
0x30: {  	s3 =	sld [smem:$0x3FAB]  }
0x31: {  	[smem:$0x3FB4] =	sst s10  }
0x32: {  	s10 =	sld [smem:$0x3FB2];
	_ =	sdelay $0x3  }
0x33: {  	p0 =	seq.s32 s10, $0x1;
	s10 =	sld [smem:$0x3FB4];
	_ =	sdelay $0x3  }
0x34: {  	[smem:$0x3FB4] =	sst s10  }
0x35: {  	s10 =	sld [smem:$0x3FB3];
	_ =	sdelay $0x3  }
0x36: {  	p1 =	seq.s32 s10, $0x1;
	s10 =	sld [smem:$0x3FB4];
	_ =	sdelay $0x3  }
0x37: {  	[smem:$0x3FB4] =	sst s10  }
0x38: {  	s10 =	sld [smem:$0x3FB5]  }
0x39: {  	_ = 	snop;
	(pc) =	sbr.ind lr, $3  }
0x3a: {  	_ = 	snop  }
0x3b: {  	_ = 	snop  }
0x3c: {  	p2 =	seq.s32 s10, $0x1;
	s10 =	sld [smem:$0x3FB4]  }
0x3d: {  	_ =	shalt  }
0x3e: {  	_ =	shalt  }
0x3f: {  	_ =	shalt  }
0x40: {  	_ =	shalt  }
0x41: {  	_ =	shalt  }
0x42: {  	_ =	shalt  }
0x43: {  	_ =	shalt  }
0x44: {  	_ =	shalt  }
0x45: {  	_ =	shalt  }
0x46: {  	_ =	shalt  }
0x47: {  	_ =	shalt  }
0x48: {  	_ =	shalt  }
0x49: {  	_ =	shalt  }
0x4a: {  	_ =	shalt  }
0x4b: {  	_ =	shalt  }
0x4c: {  	_ =	shalt  }
0x4d: {  	_ =	shalt  }
0x4e: {  	_ =	shalt  }
0x4f: {  	_ =	shalt  }
0x50: {  	_ =	shalt  }
0x51: {  	_ =	shalt  }
0x52: {  	_ =	shalt  }
0x53: {  	_ =	shalt  }
0x54: {  	_ =	shalt  }
0x55: {  	_ =	shalt  }
0x56: {  	_ =	shalt  }
0x57: {  	_ =	shalt  }
0x58: {  	_ =	shalt  }
0x59: {  	_ =	shalt  }
0x5a: {  	_ =	shalt  }
0x5b: {  	_ =	shalt  }
0x5c: {  	_ =	shalt  }
0x5d: {  	_ =	shalt  }
0x5e: {  	_ =	shalt  }
0x5f: {  	_ =	shalt  }
0x60: {  	_ =	shalt  }
0x61: {  	_ =	shalt  }
0x62: {  	_ =	shalt  }
0x63: {  	_ =	shalt  }
0x64: {  	_ =	shalt  }
0x65: {  	_ =	shalt  }
0x66: {  	_ =	shalt  }
0x67: {  	_ =	shalt  }
0x68: {  	_ =	shalt  }
0x69: {  	_ =	shalt  }
0x6a: {  	_ =	shalt  }
0x6b: {  	_ =	shalt  }
0x6c: {  	_ =	shalt  }
0x6d: {  	_ =	shalt  }
0x6e: {  	_ =	shalt  }
0x6f: {  	_ =	shalt  }
0x70: {  	_ =	shalt  }
0x71: {  	_ =	shalt  }
0x72: {  	_ =	shalt  }
0x73: {  	_ =	shalt  }
0x74: {  	_ =	shalt  }
0x75: {  	_ =	shalt  }
0x76: {  	_ =	shalt  }
0x77: {  	_ =	shalt  }
0x78: {  	_ =	shalt  }
0x79: {  	_ =	shalt  }
0x7a: {  	_ =	shalt  }
0x7b: {  	_ =	shalt  }
0x7c: {  	_ =	shalt  }
0x7d: {  	_ =	shalt  }
0x7e: {  	_ =	shalt  }
0x7f: {  	_ =	shalt  }
0x80: {  	_ =	shalt  }
0x81: {  	_ =	shalt  }
0x82: {  	_ =	shalt  }
0x83: {  	_ =	shalt  }
0x84: {  	_ =	shalt  }
0x85: {  	_ =	shalt  }
0x86: {  	_ =	shalt  }
0x87: {  	_ =	shalt  }
.Lfunc_end0:
.L_simem_size_0:
called_computation.2_lowered:
.L_overlay_start_0:
0x88: {  	s2 =	sld [smem:$0x3FD9]  }
0x89: {  	s3 =	sld [smem:$0x3FFE];
	_ =	sdelay $0x1  }
0x8a: {  	s1 =	srdreg.scid  }
0x8b: {  	s0 =	sand.u32 $0x1, s1  }
0x8c: {  	s17 =	sshll.u32 s0, $0xA;
	s2 =	sadd.s32 s3, s2  }
0x8d: {  	s2 =	sadd.s32 s2, s17  }
0x8e: {  	[smem:$0x3FC0] =	sst s2  }
0x8f: {  	_ = 	snop  }
0x90: {  	s2 =	sld [smem:$0x3FD0];
	(tm) =	ssettm $0x1  }
0x91: {  	s18 =	sld [smem:$0x3FFB];
	_ =	sdelay $0x3  }
0x92: {  	_ =	strace s18  }
0x93: {  	s3 =	sld [smem:$0x3FFC];
	_ =	sdelay $0x3  }
0x94: {  	_ =	strace s3  }
0x95: {  	s3 =	sld [smem:$0x3FFD];
	_ =	sdelay $0x3  }
0x96: {  	_ =	strace s3  }
0x97: {  	_ =	strace $0x8FFFFFFF  }
0x98: {  	s19 =	sld [smem:$0x3FDB];
	_ =	sdelay $0x1  }
0x99: {  	s4 =	simm.s32 $_scs_section_size  }
0x9a: {  	s5 =	simm.s32 $_size__tile_overlayer_lowered;
	s6 =	simm.s32 $_tile_overlayer_lowered  }
0x9b: {  	s22 =	simm.s32 $0x1BFF;
	s21 =	sshll.u32 s6, $0x1;
	s3 =	sadd.s32 s4, s19  }
0x9c: {  	s7 =	simm.s32 $0x0;
	s20 =	sshll.u32 s5, $0x1;
	s5 =	sadd.s32 s21, s3  }
0x9d: {  	[timem:s7], [sflag:s22] =	dma.local [hbm:s5], s20  }
0x9e: {  	_ =	swait.ge [sflag:s22], s20  }
0x9f: {  	s4 =	ssub.s32 $0x0, s20;
	[sflag:s22] =	ssyncset.done $0x0  }
0xa0: {  	[sflag:s22] =	ssyncadd.s32 s4;
	_ =	sdelay $0x1  }
0xa1: {  	s23 =	simm.s32 $0x1B8B  }
0xa2: {  	_ =	swait.ge [sflag:s23], $0x1  }
0xa3: {  	[sflag:s23] =	ssyncset.done $0x0  }
0xa4: {  	s25 =	simm.s32 $0x1B8E;
	s24 =	sld [smem:$0x3FFE];
	[sflag:s23] =	ssyncadd.s32 $0xFFFFFFFF  }
0xa5: {  	s26 =	simm.s32 $execute0_lowered;
	[smem:$0x3FD2] =	sst s25  }
0xa6: {  	s5 =	sshll.u32 s26, $0x1;
	_ =	strace $0x8000004C;
	[dreg:$0x1] =	wrdreg $0xFFFFFFFF  }
0xa7: {  	s28 =	simm.s32 $_size_execute0_lowered;
	s3 =	sadd.s32 s3, s5;
	[dreg:$0x0] =	wrdreg $0x0  }
0xa8: {  	s5 =	sshll.u32 s28, $0x1;
	[dreg:$0x2] =	wrdreg s3  }
0xa9: {  	[dreg:$0x3] =	wrdreg s5  }
0xaa: {  	[dreg:$0x4] =	wrdreg $0xC0  }
0xab: {  	_ =	task [dreg:s7], $0x5FFFF  }
0xac: {  	[dreg:$0x1] =	wrdreg $0xFFFFFFFF  }
0xad: {  	[dreg:$0x0] =	wrdreg $0x60  }
0xae: {  	[dreg:$0x2] =	wrdreg s24  }
0xaf: {  	[dreg:$0x3] =	wrdreg s2  }
0xb0: {  	[dreg:$0x4] =	wrdreg $0x82800  }
0xb1: {  	[dreg:$0x5] =	wrdreg $0x9  }
0xb2: {  	_ =	task.clear_ibuf [dreg:s7], $0x6FFFF;
	_ =	strace $0x9000004C  }
0xb3: {  	s29 =	simm.s32 $0x9;
	_ =	strace $0x8000004E  }
0xb4: {  	_ =	swait.ge [sflag:s29], $0x1  }
0xb5: {  	[sflag:s29] =	ssyncadd.s32 $0xFFFFFFFF  }
0xb6: {  	_ =	strace $0x9000004E  }
0xb7: {  	_ =	sfence  }
0xb8: {  	s30 =	sld [smem:$0x0];
	_ =	sdelay $0x2  }
0xb9: {  	s31 =	sshll.u32 s1, $0xD;
	s1 =	sshrl.u32 s1, $0x2  }
0xba: {  	s3 =	sand.u32 $0x4000, s31;
	s1 =	sadd.s32 s1, s30  }
0xbb: {  	s0 =	sor.u32 s3, s0;
	s1 =	sshll.u32 s1, $0x11  }
0xbc: {  	s0 =	sor.u32 s1, s0  }
0xbd: {  	s0 =	sadd.s32 $0x8F2B, s0  }
0xbe: {  	[sflag:s0] =	ssyncadd.remote.s32 $0x1  }
0xbf: {  	_ =	sfence.sel $0xFFFF  }
0xc0: {  	[dreg:$0x0] =	wrdreg $0xFFFFFFFF;
	(pc) =	sbr.abs _section_cstart, $3  }
0xc1: {  	[dreg:$0x1] =	wrdreg $0xFFFFFFFF  }
0xc2: {  	_ =	task.clear_ibuf [dreg:s7], $0x2FFFF;
	_ =	strace $0x9FFFFFFF  }
0xc3: {  	(tm) =	ssettm $0x7FFFFFFF  }
tec
execute0_lowered:
.L_overlay_start_1:
0x0: {  	(tag) =	ssettag $0x1  }
0x1: {  	s0 =	rddreg [dreg:$0x0]  }
0x2: {  	s2 =	rddreg [dreg:$0x1]  }
0x3: {  	s1 =	rddreg [dreg:$0x2];
	s3 =	simm.s32 $0x0;
	s4 =	srdreg.scid  }
0x4: {  	s20 =	stileid.u32;
	s28 =	simm.s32 $0x100;
	s29 =	simm.s32 $0x180  }
0x5: {  	s30 =	simm.s32 $0x1;
	s31 =	simm.s32 $0x3;
	[smem:$0x7FF] =	sst s3  }
0x6: {  	s10 =	sand.u32 $0x1, s4;
	s6 =	sshll.u32 s20, $0x1;
	s11 =	smul.u32 $0x5, s20  }
0x7: {  	s4 =	sadd.s32 $0x2A800, s0;
	s5 =	sadd.s32 $0x20800, s0;
	s14 =	smul.u32 $0x50, s20  }
0x8: {  	s20 =	smul.u32 $0x14000, s20;
	_ =	strace $0x8000004D;
	s7 =	sor.u32 s10, s6  }
0x9: {  	s6 =	sadd.s32 $0x2800, s0;
	s8 =	ssub.s32 $0x2, s10;
	s17 =	smul.u32 $0x140000, s10  }
0xa: {  	s0 =	sadd.s32 $0x52800, s0;
	s7 =	smul.u32 $0x2800, s7;
	s9 =	sshrl.u32 s8, $0x1  }
0xb: {  	s10 =	sadd.s32 s2, s14;
	s16 =	sadd.s32 $0x1, s11;
	s25 =	sadd.s32 $0x2, s11  }
0xc: {  	s19 =	sadd.s32 $0x3, s11;
	s11 =	sadd.s32 $0x4, s11;
	s12 =	ssub.s32 s8, s9  }
0xd: {  	s24 =	sshll.u32 s16, $0x4;
	s26 =	sshll.u32 s25, $0x4;
	s15 =	sshll.u32 s19, $0x4  }
0xe: {  	s21 =	sshll.u32 s11, $0x4;
	s20 =	sadd.s32 s17, s20;
	s22 =	sshll.u32 s16, $0xE  }
0xf: {  	s11 =	sshll.u32 s11, $0xE;
	s13 =	sshrl.u32 s7, $0x3;
	s12 =	smax.u32 s12, $0x1  }
0x10: {  	s14 =	sadd.s32 s2, s26;
	s15 =	sadd.s32 s2, s15;
	s16 =	sadd.s32 s2, s21  }
0x11: {  	s20 =	sshrl.u32 s20, $0x3;
	s21 =	sadd.s32 s17, s22;
	s11 =	sadd.s32 s17, s11  }
0x12: {  	s8 =	sadd.s32 s5, s13;
	s9 =	sadd.s32 s6, s13;
	s18 =	sadd.s32 $0x4F0, s13  }
0x13: {  	[dreg:$0x4] =	wrdreg s12;
	s13 =	sadd.s32 s2, s24;
	s2 =	sadd.s32 s0, s20  }
0x14: {  	s22 =	sshrl.u32 s21, $0x3;
	s24 =	sshll.u32 s19, $0xE;
	s26 =	sshrl.u32 s11, $0x3  }
0x15: {  	s11 =	simm.s32 $0x0;
	s23 =	sadd.s32 s5, s18;
	s18 =	sadd.s32 s6, s18  }
0x16: {  	[dreg:$0x7] =	wrdreg s2;
	s2 =	sadd.s32 s0, s22;
	s12 =	sadd.s32 s17, s24  }
0x17: {  	s22 =	sadd.s32 s0, s26;
	s24 =	simm.s32 $0x4;
	[dreg:$0x5] =	wrdreg s23  }
0x18: {  	s26 =	simm.s32 $0x280;
	[dreg:$0x6] =	wrdreg s18;
	s23 =	sshll.u32 s25, $0xE  }
0x19: {  	[dreg:$0x8] =	wrdreg s2;
	s12 =	sshrl.u32 s12, $0x3;
	s2 =	sadd.s32 s17, s23  }
0x1a: {  	s25 =	sadd.s32 s0, s12;
	s23 =	simm.s32 $0x200;
	s2 =	sshrl.u32 s2, $0x3  }
0x1b: {  	[dreg:$0xa] =	wrdreg s25;
	s25 =	simm.s32 $0x80;
	s2 =	sadd.s32 s0, s2  }
0x1c: {  	v0 =	vimm.f32 $0.0e+00;
	s0 =	simm.s32 $0x4280;
	[dreg:$0x9] =	wrdreg s2;
	s2 =	simm.s32 $0x2  }
.LBB2_1:
0x1d: {  	s12 =	simm.s32 $0x0;
	s17 =	simm.s32 $0x200  }
.LBB2_2:
0x1e: {  	p0 =	sne.s32 s17, $0xFE00;
	[tilespmem:s12+$0x2F0] =	vst v0  }
0x1f: {  	[tilespmem:s12+$0x280] =	vst v0  }
0x20: {  	[tilespmem:s12+$0x290] =	vst v0  }
.Ltmp0:
0x21: {  	[tilespmem:s12+$0x2A0] =	vst v0;
	(pc) =	sbr.rel @p0 .LBB2_2-.Ltmp0, $4  }
0x22: {  	[tilespmem:s12+$0x2B0] =	vst v0  }
0x23: {  	[tilespmem:s12+$0x2C0] =	vst v0  }
0x24: {  	[tilespmem:s12+$0x2D0] =	vst v0  }
0x25: {  	[tilespmem:s12+$0x2E0] =	vst v0;
	s12 =	sshra.s32 s17, $0x2;
	s17 =	sadd.s32 $0x200, s17  }
0x26: {  	[tilespmem:s12+$0x2F0] =	vst v0  }
0x27: {  	[tilespmem:s12+$0x280] =	vst v0  }
0x28: {  	[tilespmem:s12+$0x290] =	vst v0  }
0x29: {  	[tilespmem:s12+$0x2A0] =	vst v0  }
0x2a: {  	[tilespmem:s12+$0x2B0] =	vst v0  }
0x2b: {  	[tilespmem:s12+$0x2C0] =	vst v0  }
0x2c: {  	[tilespmem:s12+$0x2D0] =	vst v0  }
0x2d: {  	[tilespmem:s12+$0x2E0] =	vst v0;
	s19 =	simm.s32 $0x0  }
0x2e: {  	[tilespmem:s23], [sflag:$0x4] =	stream.linear.gather [hbm4b:s10+s19], $0x80, $0x38;
	[tilespmem:$0x1C280] =	vst v63  }
0x2f: {  	_ =	swait.ge [sflag:s24], $0x80  }
0x30: {  	[sflag:s24] =	ssyncset.done $0x0  }
0x31: {  	[sflag:s24] =	ssyncadd.s32 $0xFFFFFF80  }
0x32: {  	[spmem:s1] =	stream.indirect.scatter [tilespmem:s26], [sflag:$0x4], $0x80, s23, s25, $0xb8;
	[tilespmem:$0x1C280] =	vst v63  }
0x33: {  	_ =	swait.ge [sflag:s24], $0x4000  }
0x34: {  	[sflag:s24] =	ssyncset.done $0x0  }
0x35: {  	[sflag:s24] =	ssyncadd.s32 $0xFFFFC000  }
0x36: {  	[tilespmem:s23], [sflag:$0x4] =	stream.linear.gather [hbm4b:s13+s19], $0x80, $0x38;
	[tilespmem:$0x1C280] =	vst v63  }
0x37: {  	_ =	swait.ge [sflag:s24], $0x80  }
0x38: {  	[sflag:s24] =	ssyncset.done $0x0  }
0x39: {  	[sflag:s24] =	ssyncadd.s32 $0xFFFFFF80  }
0x3a: {  	[spmem:s1] =	stream.indirect.scatter [tilespmem:s26], [sflag:$0x4], $0x80, s23, s25, $0xb8;
	[tilespmem:$0x1C280] =	vst v63  }
0x3b: {  	_ =	swait.ge [sflag:s24], $0x4000  }
0x3c: {  	[sflag:s24] =	ssyncset.done $0x0  }
0x3d: {  	[sflag:s24] =	ssyncadd.s32 $0xFFFFC000  }
0x3e: {  	[tilespmem:s23], [sflag:$0x4] =	stream.linear.gather [hbm4b:s14+s19], $0x80, $0x38;
	[tilespmem:$0x1C280] =	vst v63  }
0x3f: {  	_ =	swait.ge [sflag:s24], $0x80  }
0x40: {  	[sflag:s24] =	ssyncset.done $0x0  }
0x41: {  	[sflag:s24] =	ssyncadd.s32 $0xFFFFFF80  }
0x42: {  	[spmem:s1] =	stream.indirect.scatter [tilespmem:s26], [sflag:$0x4], $0x80, s23, s25, $0xb8;
	[tilespmem:$0x1C280] =	vst v63  }
0x43: {  	_ =	swait.ge [sflag:s24], $0x4000  }
0x44: {  	[sflag:s24] =	ssyncset.done $0x0  }
0x45: {  	[sflag:s24] =	ssyncadd.s32 $0xFFFFC000  }
0x46: {  	[tilespmem:s23], [sflag:$0x4] =	stream.linear.gather [hbm4b:s15+s19], $0x80, $0x38;
	[tilespmem:$0x1C280] =	vst v63  }
0x47: {  	_ =	swait.ge [sflag:s24], $0x80  }
0x48: {  	[sflag:s24] =	ssyncset.done $0x0  }
0x49: {  	[sflag:s24] =	ssyncadd.s32 $0xFFFFFF80  }
0x4a: {  	[spmem:s1] =	stream.indirect.scatter [tilespmem:s26], [sflag:$0x4], $0x80, s23, s25, $0xb8;
	[tilespmem:$0x1C280] =	vst v63  }
0x4b: {  	_ =	swait.ge [sflag:s24], $0x4000  }
0x4c: {  	[sflag:s24] =	ssyncset.done $0x0  }
0x4d: {  	[sflag:s24] =	ssyncadd.s32 $0xFFFFC000  }
0x4e: {  	[tilespmem:s23], [sflag:$0x4] =	stream.linear.gather [hbm4b:s16+s19], $0x80, $0x38;
	[tilespmem:$0x1C280] =	vst v63  }
0x4f: {  	_ =	swait.ge [sflag:s24], $0x80  }
0x50: {  	[sflag:s24] =	ssyncset.done $0x0  }
0x51: {  	[sflag:s24] =	ssyncadd.s32 $0xFFFFFF80  }
0x52: {  	[spmem:s1] =	stream.indirect.scatter [tilespmem:s26], [sflag:$0x4], $0x80, s23, s25, $0xb8;
	[tilespmem:$0x1C280] =	vst v63  }
0x53: {  	_ =	swait.ge [sflag:s24], $0x4000  }
0x54: {  	[sflag:s24] =	ssyncset.done $0x0  }
0x55: {  	[sflag:s24] =	ssyncadd.s32 $0xFFFFC000  }
0x56: {  	[bflag:$0x0] =	sbarrier.arrive $0xFFFF  }
0x57: {  	[tilespmem:s19], [sflag:$0x4] =	stream.linear.gather [hbm4b:s8+s19], $0x80, $0x38;
	[tilespmem:$0x1C280] =	vst v63  }
0x58: {  	_ =	swait.ge [sflag:s24], $0x80  }
0x59: {  	s17 =	sand.u32 $0x3C00, s19;
	[sflag:s24] =	ssyncset.done $0x0  }
0x5a: {  	s12 =	sand.u32 $0x300, s19;
	s17 =	sadd.s32 s7, s17;
	[sflag:s24] =	ssyncadd.s32 $0xFFFFFF80  }
0x5b: {  	[tilespmem:s28], [sflag:$0x4] =	stream.linear.gather [hbm4b:s9+s19], $0x80, $0x38;
	[tilespmem:$0x1C280] =	vst v63  }
0x5c: {  	s12 =	sor.u32 s17, s12;
	_ =	swait.ge [sflag:s24], $0x80  }
0x5d: {  	s12 =	sor.u32 $0x80, s12;
	[sflag:s24] =	ssyncset.done $0x0  }
0x5e: {  	s12 =	sshrl.u32 s12, $0x3;
	[sflag:s24] =	ssyncadd.s32 $0xFFFFFF80  }
0x5f: {  	[tilespmem:s26], [sflag:$0x1] =	stream.indirect.gather [hbm4b:s4+s25], $0x80, s19, s25, $0xb8;
	[tilespmem:$0x1C280] =	vst v63  }
0x60: {  	s20 =	sadd.s32 s5, s12  }
0x61: {  	[tilespmem:s25], [sflag:$0x3] =	stream.linear.gather [hbm4b:s20+s3], $0x80, $0x38;
	[tilespmem:$0x1C280] =	vst v63  }
0x62: {  	s12 =	sadd.s32 s6, s12  }
0x63: {  	[tilespmem:s29], [sflag:$0x3] =	stream.linear.gather [hbm4b:s12+s3], $0x80, $0x38;
	[tilespmem:$0x1C280] =	vst v63  }
0x64: {  	_ =	swait.ge [sflag:s30], $0x4000  }
0x65: {  	[sflag:s30] =	ssyncset.done $0x0  }
0x66: {  	[sflag:s30] =	ssyncadd.s32 $0xFFFFC000  }
0x67: {  	_ =	swait.ge [sflag:s31], $0x80  }
0x68: {  	[sflag:s31] =	ssyncset.done $0x0  }
0x69: {  	[sflag:s31] =	ssyncadd.s32 $0xFFFFFF80  }
0x6a: {  	_ =	swait.ge [sflag:s31], $0x80  }
0x6b: {  	s21 =	simm.s32 $0x100;
	[sflag:s31] =	ssyncset.done $0x0  }
0x6c: {  	s18 =	sand.u32 $0x3C00, s21;
	[sflag:s31] =	ssyncadd.s32 $0xFFFFFF80  }
0x6d: {  	[tilespmem:s0], [sflag:$0x2] =	stream.indirect.gather [hbm4b:s4+s25], $0x80, s25, s25, $0xb8;
	[tilespmem:$0x1C280] =	vst v63  }
0x6e: {  	s17 =	sadd.s32 s7, s18;
	s18 =	sand.u32 $0x300, s21  }
0x6f: {  	[spmem:s1] =	stream.indirect.scatter.add.f32 [tilespmem:s26], [sflag:$0x4], $0x80, s28, s25, $0xb8;
	[tilespmem:$0x1C280] =	vst v63  }
0x70: {  	s17 =	sor.u32 s18, s17;
	_ =	swait.ge [sflag:s24], $0x4000  }
0x71: {  	s17 =	sshrl.u32 s17, $0x3;
	[sflag:s24] =	ssyncset.done $0x0  }
0x72: {  	s19 =	sadd.s32 s5, s17;
	[sflag:s24] =	ssyncadd.s32 $0xFFFFC000  }
0x73: {  	[tilespmem:s3], [sflag:$0x3] =	stream.linear.gather [hbm4b:s19+s3], $0x80, $0x38;
	[tilespmem:$0x1C280] =	vst v63  }
0x74: {  	s17 =	sadd.s32 s6, s17  }
0x75: {  	[tilespmem:s28], [sflag:$0x3] =	stream.linear.gather [hbm4b:s17+s3], $0x80, $0x38;
	[tilespmem:$0x1C280] =	vst v63  }
0x76: {  	_ =	swait.ge [sflag:s2], $0x4000  }
0x77: {  	[sflag:s2] =	ssyncset.done $0x0  }
0x78: {  	[sflag:s2] =	ssyncadd.s32 $0xFFFFC000  }
0x79: {  	s17 =	simm.s32 $0x200;
	_ =	swait.ge [sflag:s31], $0x80  }
0x7a: {  	s12 =	sand.u32 $0x300, s21;
	s20 =	sand.u32 $0x3C00, s17;
	[sflag:s31] =	ssyncset.done $0x0  }
0x7b: {  	s18 =	sadd.s32 s7, s20;
	s20 =	sand.u32 $0x3C00, s21;
	[sflag:s31] =	ssyncadd.s32 $0xFFFFFF80  }
0x7c: {  	s19 =	sand.u32 $0x300, s17;
	s20 =	sadd.s32 s7, s20;
	_ =	swait.ge [sflag:s31], $0x80  }
0x7d: {  	s18 =	sor.u32 s19, s18;
	s21 =	sor.u32 s20, s12;
	[sflag:s31] =	ssyncset.done $0x0  }
0x7e: {  	s12 =	sshrl.u32 s18, $0x3;
	s19 =	sor.u32 $0x80, s21;
	[sflag:s31] =	ssyncadd.s32 $0xFFFFFF80  }
.LBB2_4:
0x7f: {  	[tilespmem:s26], [sflag:$0x1] =	stream.indirect.gather [hbm4b:s4+s25], $0x80, s3, s25, $0xb8;
	[tilespmem:$0x1C280] =	vst v63  }
0x80: {  	s18 =	smov.u32 s17  }
0x81: {  	p0 =	sne.s32 s17, $0x2600;
	s17 =	sadd.s32 $0x100, s17;
	s19 =	sshrl.u32 s19, $0x3  }
0x82: {  	[spmem:s1] =	stream.indirect.scatter.add.f32 [tilespmem:s0], [sflag:$0x4], $0x80, s29, s25, $0xb8;
	[tilespmem:$0x1C280] =	vst v63  }
0x83: {  	s20 =	sand.u32 $0x3C00, s17;
	_ =	swait.ge [sflag:s24], $0x4000  }
0x84: {  	s21 =	sand.u32 $0x300, s17;
	s20 =	sadd.s32 s7, s20;
	[sflag:s24] =	ssyncset.done $0x0  }
0x85: {  	s20 =	sor.u32 s21, s20;
	s21 =	sadd.s32 s5, s19;
	[sflag:s24] =	ssyncadd.s32 $0xFFFFC000  }
0x86: {  	[tilespmem:s25], [sflag:$0x3] =	stream.linear.gather [hbm4b:s21+s3], $0x80, $0x38;
	[tilespmem:$0x1C280] =	vst v63  }
0x87: {  	s19 =	sadd.s32 s6, s19;
	s20 =	sshrl.u32 s20, $0x3  }
0x88: {  	[tilespmem:s29], [sflag:$0x3] =	stream.linear.gather [hbm4b:s19+s3], $0x80, $0x38;
	[tilespmem:$0x1C280] =	vst v63  }
0x89: {  	_ =	swait.ge [sflag:s30], $0x4000  }
0x8a: {  	[sflag:s30] =	ssyncset.done $0x0  }
0x8b: {  	[sflag:s30] =	ssyncadd.s32 $0xFFFFC000  }
0x8c: {  	_ =	swait.ge [sflag:s31], $0x80  }
0x8d: {  	[sflag:s31] =	ssyncset.done $0x0  }
0x8e: {  	[sflag:s31] =	ssyncadd.s32 $0xFFFFFF80  }
0x8f: {  	_ =	swait.ge [sflag:s31], $0x80  }
0x90: {  	[sflag:s31] =	ssyncset.done $0x0  }
0x91: {  	[sflag:s31] =	ssyncadd.s32 $0xFFFFFF80  }
0x92: {  	[tilespmem:s0], [sflag:$0x2] =	stream.indirect.gather [hbm4b:s4+s25], $0x80, s25, s25, $0xb8;
	[tilespmem:$0x1C280] =	vst v63  }
0x93: {  	_ = 	snop  }
0x94: {  	[spmem:s1] =	stream.indirect.scatter.add.f32 [tilespmem:s26], [sflag:$0x4], $0x80, s28, s25, $0xb8;
	[tilespmem:$0x1C280] =	vst v63  }
0x95: {  	_ =	swait.ge [sflag:s24], $0x4000  }
0x96: {  	[sflag:s24] =	ssyncset.done $0x0  }
0x97: {  	s19 =	sadd.s32 s5, s12;
	[sflag:s24] =	ssyncadd.s32 $0xFFFFC000  }
0x98: {  	[tilespmem:s3], [sflag:$0x3] =	stream.linear.gather [hbm4b:s19+s3], $0x80, $0x38;
	[tilespmem:$0x1C280] =	vst v63  }
0x99: {  	s19 =	sadd.s32 s6, s12;
	s12 =	smov.u32 s20  }
0x9a: {  	[tilespmem:s28], [sflag:$0x3] =	stream.linear.gather [hbm4b:s19+s3], $0x80, $0x38;
	[tilespmem:$0x1C280] =	vst v63  }
0x9b: {  	_ =	swait.ge [sflag:s2], $0x4000  }
0x9c: {  	[sflag:s2] =	ssyncset.done $0x0  }
0x9d: {  	[sflag:s2] =	ssyncadd.s32 $0xFFFFC000  }
0x9e: {  	_ =	swait.ge [sflag:s31], $0x80  }
0x9f: {  	[sflag:s31] =	ssyncset.done $0x0  }
.Ltmp1:
0xa0: {  	s19 =	sand.u32 $0x3C00, s18;
	[sflag:s31] =	ssyncadd.s32 $0xFFFFFF80;
	(pc) =	sbr.rel @p0 .LBB2_4-.Ltmp1, $4  }
0xa1: {  	_ =	swait.ge [sflag:s31], $0x80  }
0xa2: {  	s18 =	sand.u32 $0x300, s18;
	s19 =	sadd.s32 s7, s19;
	[sflag:s31] =	ssyncset.done $0x0  }
0xa3: {  	s18 =	sor.u32 s19, s18;
	[sflag:s31] =	ssyncadd.s32 $0xFFFFFF80  }
0xa4: {  	s19 =	sor.u32 $0x80, s18  }
0xa5: {  	[tilespmem:s26], [sflag:$0x1] =	stream.indirect.gather [hbm4b:s4+s25], $0x80, s3, s25, $0xb8;
	[tilespmem:$0x1C280] =	vst v63  }
0xa6: {  	_ = 	snop  }
0xa7: {  	[spmem:s1] =	stream.indirect.scatter.add.f32 [tilespmem:s0], [sflag:$0x4], $0x80, s29, s25, $0xb8;
	[tilespmem:$0x1C280] =	vst v63  }
0xa8: {  	_ =	swait.ge [sflag:s24], $0x4000  }
0xa9: {  	s17 =	sshrl.u32 s19, $0x3;
	[sflag:s24] =	ssyncset.done $0x0  }
0xaa: {  	s18 =	sadd.s32 s5, s17;
	[sflag:s24] =	ssyncadd.s32 $0xFFFFC000  }
0xab: {  	[tilespmem:s25], [sflag:$0x3] =	stream.linear.gather [hbm4b:s18+s3], $0x80, $0x38;
	[tilespmem:$0x1C280] =	vst v63  }
0xac: {  	s17 =	sadd.s32 s6, s17  }
0xad: {  	[tilespmem:s29], [sflag:$0x3] =	stream.linear.gather [hbm4b:s17+s3], $0x80, $0x38;
	[tilespmem:$0x1C280] =	vst v63  }
0xae: {  	_ =	swait.ge [sflag:s30], $0x4000  }
0xaf: {  	[sflag:s30] =	ssyncset.done $0x0  }
0xb0: {  	[sflag:s30] =	ssyncadd.s32 $0xFFFFC000  }
0xb1: {  	_ =	swait.ge [sflag:s31], $0x80  }
0xb2: {  	[sflag:s31] =	ssyncset.done $0x0  }
0xb3: {  	[sflag:s31] =	ssyncadd.s32 $0xFFFFFF80  }
0xb4: {  	_ =	swait.ge [sflag:s31], $0x80  }
0xb5: {  	[sflag:s31] =	ssyncset.done $0x0  }
0xb6: {  	[sflag:s31] =	ssyncadd.s32 $0xFFFFFF80  }
0xb7: {  	[tilespmem:s0], [sflag:$0x2] =	stream.indirect.gather [hbm4b:s4+s25], $0x80, s25, s25, $0xb8;
	[tilespmem:$0x1C280] =	vst v63  }
0xb8: {  	_ = 	snop  }
0xb9: {  	[spmem:s1] =	stream.indirect.scatter.add.f32 [tilespmem:s26], [sflag:$0x4], $0x80, s28, s25, $0xb8;
	[tilespmem:$0x1C280] =	vst v63  }
0xba: {  	_ =	swait.ge [sflag:s24], $0x4000  }
0xbb: {  	[sflag:s24] =	ssyncset.done $0x0  }
0xbc: {  	s18 =	sadd.s32 s5, s12;
	[sflag:s24] =	ssyncadd.s32 $0xFFFFC000  }
0xbd: {  	[tilespmem:s3], [sflag:$0x3] =	stream.linear.gather [hbm4b:s18+s3], $0x80, $0x38;
	[tilespmem:$0x1C280] =	vst v63  }
0xbe: {  	s19 =	sadd.s32 s6, s12  }
0xbf: {  	[tilespmem:s28], [sflag:$0x3] =	stream.linear.gather [hbm4b:s19+s3], $0x80, $0x38;
	[tilespmem:$0x1C280] =	vst v63  }
0xc0: {  	_ =	swait.ge [sflag:s2], $0x4000  }
0xc1: {  	[sflag:s2] =	ssyncset.done $0x0  }
0xc2: {  	[sflag:s2] =	ssyncadd.s32 $0xFFFFC000  }
0xc3: {  	_ =	swait.ge [sflag:s31], $0x80  }
0xc4: {  	[sflag:s31] =	ssyncset.done $0x0  }
0xc5: {  	[sflag:s31] =	ssyncadd.s32 $0xFFFFFF80  }
0xc6: {  	_ =	swait.ge [sflag:s31], $0x80  }
0xc7: {  	[sflag:s31] =	ssyncset.done $0x0  }
0xc8: {  	[sflag:s31] =	ssyncadd.s32 $0xFFFFFF80  }
0xc9: {  	[tilespmem:s26], [sflag:$0x1] =	stream.indirect.gather [hbm4b:s4+s25], $0x80, s3, s25, $0xb8;
	[tilespmem:$0x1C280] =	vst v63  }
0xca: {  	_ = 	snop  }
0xcb: {  	[spmem:s1] =	stream.indirect.scatter.add.f32 [tilespmem:s0], [sflag:$0x4], $0x80, s29, s25, $0xb8;
	[tilespmem:$0x1C280] =	vst v63  }
0xcc: {  	_ =	swait.ge [sflag:s24], $0x4000  }
0xcd: {  	[sflag:s24] =	ssyncset.done $0x0  }
0xce: {  	s20 =	rddreg [dreg:$0x5];
	[sflag:s24] =	ssyncadd.s32 $0xFFFFC000  }
0xcf: {  	[tilespmem:s25], [sflag:$0x3] =	stream.linear.gather [hbm4b:s20+s3], $0x80, $0x38;
	[tilespmem:$0x1C280] =	vst v63  }
0xd0: {  	s21 =	rddreg [dreg:$0x6]  }
0xd1: {  	[tilespmem:s29], [sflag:$0x3] =	stream.linear.gather [hbm4b:s21+s3], $0x80, $0x38;
	[tilespmem:$0x1C280] =	vst v63  }
0xd2: {  	_ =	swait.ge [sflag:s30], $0x4000  }
0xd3: {  	[sflag:s30] =	ssyncset.done $0x0  }
0xd4: {  	[sflag:s30] =	ssyncadd.s32 $0xFFFFC000  }
0xd5: {  	_ =	swait.ge [sflag:s31], $0x80  }
0xd6: {  	[sflag:s31] =	ssyncset.done $0x0  }
0xd7: {  	[sflag:s31] =	ssyncadd.s32 $0xFFFFFF80  }
0xd8: {  	_ =	swait.ge [sflag:s31], $0x80  }
0xd9: {  	[sflag:s31] =	ssyncset.done $0x0  }
0xda: {  	[sflag:s31] =	ssyncadd.s32 $0xFFFFFF80  }
0xdb: {  	[tilespmem:s0], [sflag:$0x2] =	stream.indirect.gather [hbm4b:s4+s25], $0x80, s25, s25, $0xb8;
	[tilespmem:$0x1C280] =	vst v63  }
0xdc: {  	_ = 	snop  }
0xdd: {  	[spmem:s1] =	stream.indirect.scatter.add.f32 [tilespmem:s26], [sflag:$0x4], $0x80, s28, s25, $0xb8;
	[tilespmem:$0x1C280] =	vst v63  }
0xde: {  	_ =	swait.ge [sflag:s24], $0x4000  }
0xdf: {  	[sflag:s24] =	ssyncset.done $0x0  }
0xe0: {  	[sflag:s24] =	ssyncadd.s32 $0xFFFFC000  }
0xe1: {  	[tilespmem:s3], [sflag:$0x3] =	stream.linear.gather [hbm4b:s8+s3], $0x80, $0x38;
	[tilespmem:$0x1C280] =	vst v63  }
0xe2: {  	_ = 	snop  }
0xe3: {  	[tilespmem:s28], [sflag:$0x3] =	stream.linear.gather [hbm4b:s9+s3], $0x80, $0x38;
	[tilespmem:$0x1C280] =	vst v63  }
0xe4: {  	_ =	swait.ge [sflag:s2], $0x4000  }
0xe5: {  	[sflag:s2] =	ssyncset.done $0x0  }
0xe6: {  	[sflag:s2] =	ssyncadd.s32 $0xFFFFC000  }
0xe7: {  	_ =	swait.ge [sflag:s31], $0x80  }
0xe8: {  	[sflag:s31] =	ssyncset.done $0x0  }
0xe9: {  	[sflag:s31] =	ssyncadd.s32 $0xFFFFFF80  }
0xea: {  	_ =	swait.ge [sflag:s31], $0x80  }
0xeb: {  	[sflag:s31] =	ssyncset.done $0x0  }
0xec: {  	[sflag:s31] =	ssyncadd.s32 $0xFFFFFF80  }
0xed: {  	[tilespmem:s26], [sflag:$0x1] =	stream.indirect.gather [hbm4b:s4+s25], $0x80, s3, s25, $0xb8;
	[tilespmem:$0x1C280] =	vst v63  }
0xee: {  	_ = 	snop  }
0xef: {  	[spmem:s1] =	stream.indirect.scatter.add.f32 [tilespmem:s0], [sflag:$0x4], $0x80, s29, s25, $0xb8;
	[tilespmem:$0x1C280] =	vst v63  }
0xf0: {  	_ =	swait.ge [sflag:s24], $0x4000  }
0xf1: {  	[sflag:s24] =	ssyncset.done $0x0  }
0xf2: {  	[sflag:s24] =	ssyncadd.s32 $0xFFFFC000  }
0xf3: {  	_ =	swait.ge [sflag:s30], $0x4000  }
0xf4: {  	[sflag:s30] =	ssyncset.done $0x0  }
0xf5: {  	[sflag:s30] =	ssyncadd.s32 $0xFFFFC000  }
0xf6: {  	[bflag:$0x0] =	sbarrier.arrive $0xFFFF  }
0xf7: {  	[tilespmem:s23], [sflag:$0x4] =	stream.linear.gather [hbm4b:s10+s3], $0x80, $0x38;
	[tilespmem:$0x1C280] =	vst v63  }
0xf8: {  	_ =	swait.ge [sflag:s24], $0x80  }
0xf9: {  	[sflag:s24] =	ssyncset.done $0x0  }
0xfa: {  	[sflag:s24] =	ssyncadd.s32 $0xFFFFFF80  }
0xfb: {  	[tilespmem:s26], [sflag:$0x1] =	stream.indirect.gather [spmem:s1], $0x80, s23, s25, $0xb8;
	[tilespmem:$0x1C280] =	vst v63  }
0xfc: {  	_ =	swait.ge [sflag:s30], $0x4000  }
0xfd: {  	[sflag:s30] =	ssyncset.done $0x0  }
0xfe: {  	s17 =	rddreg [dreg:$0x7];
	[sflag:s30] =	ssyncadd.s32 $0xFFFFC000  }
0xff: {  	[hbm4b:s17+s3] =	stream.linear.scatter [tilespmem:s26], [sflag:$0x4], $0x4000, $0x38;
	[tilespmem:$0x1C280] =	vst v63  }
0x100: {  	_ =	swait.ge [sflag:s24], $0x4000  }
0x101: {  	[sflag:s24] =	ssyncset.done $0x0  }
0x102: {  	[sflag:s24] =	ssyncadd.s32 $0xFFFFC000  }
0x103: {  	[tilespmem:s23], [sflag:$0x4] =	stream.linear.gather [hbm4b:s13+s3], $0x80, $0x38;
	[tilespmem:$0x1C280] =	vst v63  }
0x104: {  	_ =	swait.ge [sflag:s24], $0x80  }
0x105: {  	[sflag:s24] =	ssyncset.done $0x0  }
0x106: {  	[sflag:s24] =	ssyncadd.s32 $0xFFFFFF80  }
0x107: {  	[tilespmem:s26], [sflag:$0x1] =	stream.indirect.gather [spmem:s1], $0x80, s23, s25, $0xb8;
	[tilespmem:$0x1C280] =	vst v63  }
0x108: {  	_ =	swait.ge [sflag:s30], $0x4000  }
0x109: {  	[sflag:s30] =	ssyncset.done $0x0  }
0x10a: {  	s18 =	rddreg [dreg:$0x8];
	[sflag:s30] =	ssyncadd.s32 $0xFFFFC000  }
0x10b: {  	[hbm4b:s18+s3] =	stream.linear.scatter [tilespmem:s26], [sflag:$0x4], $0x4000, $0x38;
	[tilespmem:$0x1C280] =	vst v63  }
0x10c: {  	_ =	swait.ge [sflag:s24], $0x4000  }
0x10d: {  	[sflag:s24] =	ssyncset.done $0x0  }
0x10e: {  	[sflag:s24] =	ssyncadd.s32 $0xFFFFC000  }
0x10f: {  	[tilespmem:s23], [sflag:$0x4] =	stream.linear.gather [hbm4b:s14+s3], $0x80, $0x38;
	[tilespmem:$0x1C280] =	vst v63  }
0x110: {  	_ =	swait.ge [sflag:s24], $0x80  }
0x111: {  	[sflag:s24] =	ssyncset.done $0x0  }
0x112: {  	[sflag:s24] =	ssyncadd.s32 $0xFFFFFF80  }
0x113: {  	[tilespmem:s26], [sflag:$0x1] =	stream.indirect.gather [spmem:s1], $0x80, s23, s25, $0xb8;
	[tilespmem:$0x1C280] =	vst v63  }
0x114: {  	_ =	swait.ge [sflag:s30], $0x4000  }
0x115: {  	[sflag:s30] =	ssyncset.done $0x0  }
0x116: {  	s19 =	rddreg [dreg:$0x9];
	[sflag:s30] =	ssyncadd.s32 $0xFFFFC000  }
0x117: {  	[hbm4b:s19+s3] =	stream.linear.scatter [tilespmem:s26], [sflag:$0x4], $0x4000, $0x38;
	[tilespmem:$0x1C280] =	vst v63  }
0x118: {  	_ =	swait.ge [sflag:s24], $0x4000  }
0x119: {  	[sflag:s24] =	ssyncset.done $0x0  }
0x11a: {  	[sflag:s24] =	ssyncadd.s32 $0xFFFFC000  }
0x11b: {  	[tilespmem:s23], [sflag:$0x4] =	stream.linear.gather [hbm4b:s15+s3], $0x80, $0x38;
	[tilespmem:$0x1C280] =	vst v63  }
0x11c: {  	_ =	swait.ge [sflag:s24], $0x80  }
0x11d: {  	[sflag:s24] =	ssyncset.done $0x0  }
0x11e: {  	[sflag:s24] =	ssyncadd.s32 $0xFFFFFF80  }
0x11f: {  	[tilespmem:s26], [sflag:$0x1] =	stream.indirect.gather [spmem:s1], $0x80, s23, s25, $0xb8;
	[tilespmem:$0x1C280] =	vst v63  }
0x120: {  	_ =	swait.ge [sflag:s30], $0x4000  }
0x121: {  	[sflag:s30] =	ssyncset.done $0x0  }
0x122: {  	s20 =	rddreg [dreg:$0xa];
	[sflag:s30] =	ssyncadd.s32 $0xFFFFC000  }
0x123: {  	[hbm4b:s20+s3] =	stream.linear.scatter [tilespmem:s26], [sflag:$0x4], $0x4000, $0x38;
	[tilespmem:$0x1C280] =	vst v63  }
0x124: {  	_ =	swait.ge [sflag:s24], $0x4000  }
0x125: {  	[sflag:s24] =	ssyncset.done $0x0  }
0x126: {  	[sflag:s24] =	ssyncadd.s32 $0xFFFFC000  }
0x127: {  	[tilespmem:s23], [sflag:$0x4] =	stream.linear.gather [hbm4b:s16+s3], $0x80, $0x38;
	[tilespmem:$0x1C280] =	vst v63  }
0x128: {  	_ =	swait.ge [sflag:s24], $0x80  }
0x129: {  	[sflag:s24] =	ssyncset.done $0x0  }
0x12a: {  	[sflag:s24] =	ssyncadd.s32 $0xFFFFFF80  }
0x12b: {  	[tilespmem:s26], [sflag:$0x1] =	stream.indirect.gather [spmem:s1], $0x80, s23, s25, $0xb8;
	[tilespmem:$0x1C280] =	vst v63  }
0x12c: {  	_ =	swait.ge [sflag:s30], $0x4000  }
0x12d: {  	[sflag:s30] =	ssyncset.done $0x0  }
0x12e: {  	[sflag:s30] =	ssyncadd.s32 $0xFFFFC000  }
0x12f: {  	[hbm4b:s22+s3] =	stream.linear.scatter [tilespmem:s26], [sflag:$0x4], $0x4000, $0x38;
	[tilespmem:$0x1C280] =	vst v63  }
0x130: {  	_ =	swait.ge [sflag:s24], $0x4000  }
0x131: {  	s11 =	sadd.s32 $0x1, s11;
	s21 =	rddreg [dreg:$0x4]  }
0x132: {  	p0 =	sne.s32 s11, s21  }
.Ltmp2:
0x133: {  	_ = 	snop;
	(pc) =	sbr.rel @p0 .LBB2_1-.Ltmp2, $3  }
0x134: {  	_ =	sdelay $0x1  }
0x135: {  	[sflag:s24] =	ssyncset.done $0x0  }
0x136: {  	[sflag:s24] =	ssyncadd.s32 $0xFFFFC000  }
0x137: {  	_ =	sfence.sel $0x180000  }
0x138: {  	[bflag:$0x0] =	sbarrier.arrive $0xFFFF  }
0x139: {  	_ =	strace $0x9000004D  }
0x13a: {  	s0 =	stileid.u32;
	[bflag:$0x2] =	sbarrier.arrive $0xFFFF  }
0x13b: {  	p0 =	sne.s32 s0, $0x0;
	s0 =	rddreg [dreg:$0x3]  }
0x13c: {  	s0 =	sadd.s32 @!p0 $0x100000, s0  }
0x13d: {  	[sflag:s0] =	ssyncadd.tile.s32 @!p0 $0x1;
	_ =	shalt  }
.Lfunc_end2:
_tile_overlayer_lowered:
.L_overlay_start_2:
0x13e: {  	(tag) =	ssettag $0x2  }
0x13f: {  	s0 =	rddreg [dreg:$0x0];
	s2 =	stileid.u32  }
0x140: {  	s1 =	rddreg [dreg:$0x1];
	p0 =	sne.s32 s2, $0x0  }
0x141: {  	s3 =	rddreg [dreg:$0x2];
	[bflag:$0x3] =	sbarrier.arrive $0xFFFF;
	s2 =	simm.s32 @!p0 $0x1C04  }
0x142: {  	[timem:s3], [sflag:s2] =	dma.local @!p0 [hbm:s0], s1  }
0x143: {  	s0 =	simm.s32 @!p0 $0x4  }
0x144: {  	_ =	swait.ge @!p0 [sflag:s0], s1  }
0x145: {  	s1 =	ssub.s32 @!p0 $0x0, s1;
	[sflag:s0] =	ssyncset.done @!p0 $0x0  }
0x146: {  	[sflag:s0] =	ssyncadd.s32 @!p0 s1  }
0x147: {  	[bflag:$0x3] =	sbarrier.arrive $0xFFFF  }
0x148: {  	_ =	shalt  }

// kernel: kernel.8.cloned.1.call-start
scs
__scs_entry_jumppad:
0x0: {  	(pc) =	sbr.rel $0x88, $3  }
0x1: {  	(tag) =	ssettag $0x0;
	lr =	simm.s32 $0x1  }
0x2: {  	[smem:$0x3F99] =	sst lr;
	_ =	strace $0xD0000000  }
0x3: {  	_ = 	snop  }
0x4: {  	_ = 	snop  }
0x5: {  	_ = 	snop  }
0x6: {  	_ = 	snop  }
0x7: {  	_ = 	snop  }
__scs_overlays_trampoline_lowered:
0x8: {  	[smem:$0x3FA8] =	sst s0  }
0x9: {  	[smem:$0x3FA9] =	sst s1  }
0xa: {  	[smem:$0x3FAA] =	sst s2  }
0xb: {  	[smem:$0x3FAB] =	sst s3  }
0xc: {  	[smem:$0x3FAC] =	sst s4  }
0xd: {  	[smem:$0x3FAD] =	sst s5  }
0xe: {  	[smem:$0x3FAE] =	sst s6  }
0xf: {  	[smem:$0x3FAF] =	sst s7  }
0x10: {  	[smem:$0x3FB0] =	sst s8  }
0x11: {  	[smem:$0x3FB1] =	sst s9;
	s0 =	simm.s32 @!p0 $0x0  }
0x12: {  	s1 =	sld [smem:$0x3F97];
	s0 =	simm.s32 @p0 $0x1  }
0x13: {  	[smem:$0x3FB2] =	sst s0;
	s0 =	simm.s32 @!p1 $0x0  }
0x14: {  	s2 =	sld [smem:$0x3F96];
	s0 =	simm.s32 @p1 $0x1  }
0x15: {  	[smem:$0x3FB3] =	sst s0;
	s0 =	simm.s32 @!p2 $0x0  }
0x16: {  	s3 =	sld [smem:$0x3FDB];
	s0 =	simm.s32 @p2 $0x1  }
0x17: {  	s4 =	simm.s32 $0x1BF5;
	[smem:$0x3FB5] =	sst s0  }
0x18: {  	s0 =	sld [smem:$0x3F98];
	_ =	swait.ge [sflag:s4], $0x0  }
0x19: {  	s7 =	sld [smem:$0x3F99]  }
0x1a: {  	s8 =	sadd.s32 $0xFFFFE003, lr  }
0x1b: {  	s9 =	sadd.s32 $0xFFFFFEF7, lr;
	s5 =	simm.s32 $0xFFFFFFFF;
	p2 =	slt.u32 s8, $0xFFFFF086  }
0x1c: {  	p1 =	slt.u32 s9, $0xF7A;
	s5 =	simm.s32 @!p2 $0x0  }
0x1d: {  	s5 =	simm.s32 @p1 $0x1;
	p0 =	seq.s32 s7, s2  }
0x1e: {  	s7 =	smul.u32 @!p0 $0xF7A, s2;
	p2 =	seq.s32 @!p0 s5, $0x0  }
0x1f: {  	s9 =	smul.u32 $0xF7A, s1;
	s8 =	simm.s32 @!p0 $0x1BF5;
	p2 =	por !p2, p0  }
0x20: {  	[sflag:s8] =	ssyncset.s32 @!p0 $0xFFFFF086;
	s6 =	sadd.s32 @!p0 s3, s7;
	s7 =	simm.s32 @!p0 $0x108  }
0x21: {  	s3 =	sadd.s32 s3, s9;
	s6 =	sadd.s32 @!p0 $0x88, s6;
	s7 =	simm.s32 @p2 $0x1082  }
0x22: {  	[simem:s7], [sflag:s8] =	dma.local @!p0 [hbm:s6], $0xF7A  }
0x23: {  	s9 =	sor.u32 $0xD0000000, s2;
	s6 =	simm.s32 $0x108;
	_ =	swait.ge @!p0 [sflag:s8], $0x0  }
0x24: {  	s3 =	sadd.s32 $0x88, s3;
	s6 =	simm.s32 @!p1 $0x1082;
	[sflag:s4] =	ssyncset.s32 $0xFFFFF086  }
0x25: {  	[simem:s6], [sflag:s4] =	dma.local [hbm:s3], $0xF7A  }
0x26: {  	[smem:$0x3F99] =	sst s1;
	(tag) =	ssettag s2;
	_ =	strace s9  }
0x27: {  	s1 =	sld [smem:$0x3FA9]  }
0x28: {  	s2 =	sld [smem:$0x3FAA]  }
0x29: {  	s4 =	sld [smem:$0x3FAC]  }
0x2a: {  	p0 =	seq.s32 s5, $0x0;
	s5 =	sld [smem:$0x3FAD]  }
0x2b: {  	s6 =	sld [smem:$0x3FAE]  }
0x2c: {  	s7 =	sld [smem:$0x3FAF]  }
0x2d: {  	s3 =	simm.s32 $0x108;
	s8 =	sld [smem:$0x3FB0]  }
0x2e: {  	s3 =	simm.s32 @!p0 $0x1082;
	s9 =	sld [smem:$0x3FB1]  }
0x2f: {  	lr =	sadd.s32 s0, s3;
	s0 =	sld [smem:$0x3FA8]  }
0x30: {  	s3 =	sld [smem:$0x3FAB]  }
0x31: {  	[smem:$0x3FB4] =	sst s10  }
0x32: {  	s10 =	sld [smem:$0x3FB2];
	_ =	sdelay $0x3  }
0x33: {  	p0 =	seq.s32 s10, $0x1;
	s10 =	sld [smem:$0x3FB4];
	_ =	sdelay $0x3  }
0x34: {  	[smem:$0x3FB4] =	sst s10  }
0x35: {  	s10 =	sld [smem:$0x3FB3];
	_ =	sdelay $0x3  }
0x36: {  	p1 =	seq.s32 s10, $0x1;
	s10 =	sld [smem:$0x3FB4];
	_ =	sdelay $0x3  }
0x37: {  	[smem:$0x3FB4] =	sst s10  }
0x38: {  	s10 =	sld [smem:$0x3FB5]  }
0x39: {  	_ = 	snop;
	(pc) =	sbr.ind lr, $3  }
0x3a: {  	_ = 	snop  }
0x3b: {  	_ = 	snop  }
0x3c: {  	p2 =	seq.s32 s10, $0x1;
	s10 =	sld [smem:$0x3FB4]  }
0x3d: {  	_ =	shalt  }
0x3e: {  	_ =	shalt  }
0x3f: {  	_ =	shalt  }
0x40: {  	_ =	shalt  }
0x41: {  	_ =	shalt  }
0x42: {  	_ =	shalt  }
0x43: {  	_ =	shalt  }
0x44: {  	_ =	shalt  }
0x45: {  	_ =	shalt  }
0x46: {  	_ =	shalt  }
0x47: {  	_ =	shalt  }
0x48: {  	_ =	shalt  }
0x49: {  	_ =	shalt  }
0x4a: {  	_ =	shalt  }
0x4b: {  	_ =	shalt  }
0x4c: {  	_ =	shalt  }
0x4d: {  	_ =	shalt  }
0x4e: {  	_ =	shalt  }
0x4f: {  	_ =	shalt  }
0x50: {  	_ =	shalt  }
0x51: {  	_ =	shalt  }
0x52: {  	_ =	shalt  }
0x53: {  	_ =	shalt  }
0x54: {  	_ =	shalt  }
0x55: {  	_ =	shalt  }
0x56: {  	_ =	shalt  }
0x57: {  	_ =	shalt  }
0x58: {  	_ =	shalt  }
0x59: {  	_ =	shalt  }
0x5a: {  	_ =	shalt  }
0x5b: {  	_ =	shalt  }
0x5c: {  	_ =	shalt  }
0x5d: {  	_ =	shalt  }
0x5e: {  	_ =	shalt  }
0x5f: {  	_ =	shalt  }
0x60: {  	_ =	shalt  }
0x61: {  	_ =	shalt  }
0x62: {  	_ =	shalt  }
0x63: {  	_ =	shalt  }
0x64: {  	_ =	shalt  }
0x65: {  	_ =	shalt  }
0x66: {  	_ =	shalt  }
0x67: {  	_ =	shalt  }
0x68: {  	_ =	shalt  }
0x69: {  	_ =	shalt  }
0x6a: {  	_ =	shalt  }
0x6b: {  	_ =	shalt  }
0x6c: {  	_ =	shalt  }
0x6d: {  	_ =	shalt  }
0x6e: {  	_ =	shalt  }
0x6f: {  	_ =	shalt  }
0x70: {  	_ =	shalt  }
0x71: {  	_ =	shalt  }
0x72: {  	_ =	shalt  }
0x73: {  	_ =	shalt  }
0x74: {  	_ =	shalt  }
0x75: {  	_ =	shalt  }
0x76: {  	_ =	shalt  }
0x77: {  	_ =	shalt  }
0x78: {  	_ =	shalt  }
0x79: {  	_ =	shalt  }
0x7a: {  	_ =	shalt  }
0x7b: {  	_ =	shalt  }
0x7c: {  	_ =	shalt  }
0x7d: {  	_ =	shalt  }
0x7e: {  	_ =	shalt  }
0x7f: {  	_ =	shalt  }
0x80: {  	_ =	shalt  }
0x81: {  	_ =	shalt  }
0x82: {  	_ =	shalt  }
0x83: {  	_ =	shalt  }
0x84: {  	_ =	shalt  }
0x85: {  	_ =	shalt  }
0x86: {  	_ =	shalt  }
0x87: {  	_ =	shalt  }
.Lfunc_end0:
.L_simem_size_0:
called_computation_lowered:
.L_overlay_start_0:
0x88: {  	s2 =	sld [smem:$0x3FD9]  }
0x89: {  	s3 =	sld [smem:$0x3FFE];
	_ =	sdelay $0x1  }
0x8a: {  	s1 =	srdreg.scid  }
0x8b: {  	s0 =	sand.u32 $0x1, s1  }
0x8c: {  	s16 =	sshll.u32 s0, $0xA;
	s2 =	sadd.s32 s3, s2  }
0x8d: {  	s2 =	sadd.s32 s2, s16  }
0x8e: {  	[smem:$0x3FC0] =	sst s2  }
0x8f: {  	_ = 	snop  }
0x90: {  	(tm) =	ssettm $0x1  }
0x91: {  	s17 =	sld [smem:$0x3FFB];
	_ =	sdelay $0x3  }
0x92: {  	_ =	strace s17  }
0x93: {  	s2 =	sld [smem:$0x3FFC];
	_ =	sdelay $0x3  }
0x94: {  	_ =	strace s2  }
0x95: {  	s2 =	sld [smem:$0x3FFD];
	_ =	sdelay $0x3  }
0x96: {  	_ =	strace s2  }
0x97: {  	_ =	strace $0x8FFFFFFF  }
0x98: {  	s18 =	sld [smem:$0x3FDB];
	_ =	sdelay $0x1  }
0x99: {  	s19 =	simm.s32 $_scs_section_size  }
0x9a: {  	s4 =	simm.s32 $_size__tile_overlayer_lowered;
	s5 =	simm.s32 $_tile_overlayer_lowered  }
0x9b: {  	s22 =	simm.s32 $0x1BFF;
	s21 =	sshll.u32 s5, $0x1;
	s2 =	sadd.s32 s19, s18  }
0x9c: {  	s6 =	simm.s32 $0x0;
	s20 =	sshll.u32 s4, $0x1;
	s4 =	sadd.s32 s21, s2  }
0x9d: {  	[timem:s6], [sflag:s22] =	dma.local [hbm:s4], s20  }
0x9e: {  	_ =	swait.ge [sflag:s22], s20  }
0x9f: {  	s3 =	ssub.s32 $0x0, s20;
	[sflag:s22] =	ssyncset.done $0x0  }
0xa0: {  	[sflag:s22] =	ssyncadd.s32 s3;
	_ =	sdelay $0x1  }
0xa1: {  	s23 =	simm.s32 $0x1B8B  }
0xa2: {  	_ =	swait.ge [sflag:s23], $0x1  }
0xa3: {  	[sflag:s23] =	ssyncset.done $0x0  }
0xa4: {  	s25 =	simm.s32 $0x1B8E;
	s24 =	sld [smem:$0x3FFE];
	[sflag:s23] =	ssyncadd.s32 $0xFFFFFFFF  }
0xa5: {  	s26 =	simm.s32 $execute0_lowered;
	[smem:$0x3FD2] =	sst s25  }
0xa6: {  	s4 =	sshll.u32 s26, $0x1;
	_ =	strace $0x80000046;
	[dreg:$0x1] =	wrdreg $0xFFFFFFFF  }
0xa7: {  	s28 =	simm.s32 $_size_execute0_lowered;
	s2 =	sadd.s32 s2, s4;
	[dreg:$0x0] =	wrdreg $0x0  }
0xa8: {  	s4 =	sshll.u32 s28, $0x1;
	[dreg:$0x2] =	wrdreg s2  }
0xa9: {  	[dreg:$0x3] =	wrdreg s4  }
0xaa: {  	[dreg:$0x4] =	wrdreg $0xC0  }
0xab: {  	_ =	task [dreg:s6], $0x5FFFF  }
0xac: {  	[dreg:$0x1] =	wrdreg $0xFFFFFFFF  }
0xad: {  	[dreg:$0x0] =	wrdreg $0x60  }
0xae: {  	[dreg:$0x2] =	wrdreg s24  }
0xaf: {  	[dreg:$0x3] =	wrdreg $0x9  }
0xb0: {  	_ =	task.clear_ibuf [dreg:s6], $0x4FFFF;
	_ =	strace $0x90000046  }
0xb1: {  	s29 =	simm.s32 $0x9;
	_ =	strace $0x80000048  }
0xb2: {  	_ =	swait.ge [sflag:s29], $0x1  }
0xb3: {  	[sflag:s29] =	ssyncadd.s32 $0xFFFFFFFF  }
0xb4: {  	_ =	strace $0x90000048  }
0xb5: {  	_ =	sfence  }
0xb6: {  	s30 =	sld [smem:$0x0];
	_ =	sdelay $0x2  }
0xb7: {  	s31 =	sshll.u32 s1, $0xD;
	s1 =	sshrl.u32 s1, $0x2  }
0xb8: {  	s3 =	sand.u32 $0x4000, s31;
	s1 =	sadd.s32 s1, s30  }
0xb9: {  	s0 =	sor.u32 s3, s0;
	s1 =	sshll.u32 s1, $0x11  }
0xba: {  	s0 =	sor.u32 s1, s0  }
0xbb: {  	s0 =	sadd.s32 $0x8F2B, s0  }
0xbc: {  	[sflag:s0] =	ssyncadd.remote.s32 $0x1  }
0xbd: {  	_ =	sfence.sel $0xFFFF  }
0xbe: {  	[dreg:$0x0] =	wrdreg $0xFFFFFFFF;
	(pc) =	sbr.abs _section_cstart, $3  }
0xbf: {  	[dreg:$0x1] =	wrdreg $0xFFFFFFFF  }
0xc0: {  	_ =	task.clear_ibuf [dreg:s6], $0x2FFFF;
	_ =	strace $0x9FFFFFFF  }
0xc1: {  	(tm) =	ssettm $0x7FFFFFFF  }
tec
execute0_lowered:
.L_overlay_start_1:
0x0: {  	(tag) =	ssettag $0x1  }
0x1: {  	s1 =	srdreg.scid  }
0x2: {  	s0 =	stileid.u32;
	s5 =	rddreg [dreg:$0x0]  }
0x3: {  	s6 =	simm.s32 $0x80;
	s7 =	simm.s32 $0x400;
	s8 =	simm.s32 $0x1  }
0x4: {  	s3 =	sand.u32 $0x1, s1;
	s29 =	sshrl.u32 s0, $0x2;
	s2 =	sshll.u32 s0, $0x8  }
0x5: {  	s4 =	smul.u32 $0x14000, s29;
	s30 =	sshll.u32 s3, $0x7;
	s2 =	sand.u32 $0x300, s2  }
0x6: {  	s9 =	simm.s32 $0x2800;
	s1 =	rddreg [dreg:$0x1];
	s2 =	sor.u32 s30, s2  }
0x7: {  	s3 =	ssub.s32 $0x2, s3;
	s4 =	sor.u32 s4, s2;
	s2 =	simm.s32 $0x0  }
0x8: {  	s31 =	sshrl.u32 s3, $0x1;
	s4 =	sshrl.u32 s4, $0x3;
	[smem:$0x7FF] =	sst s2  }
0x9: {  	s4 =	sadd.s32 s4, s5;
	_ =	strace $0x80000047;
	s5 =	ssub.s32 s3, s31  }
0xa: {  	v0 =	vimm.f32 $0.0e+00;
	v1 =	vimm.f32 $1.000000000e+00;
	s3 =	sadd.s32 $0xC800, s4;
	s4 =	sadd.s32 $0x16800, s4;
	s5 =	smax.u32 s5, $0x1  }
.LBB2_1:
0xb: {  	s10 =	simm.s32 $0x40;
	s11 =	simm.s32 $0x0  }
.LBB2_2:
0xc: {  	p0 =	sne.s32 s10, $0x9FC0;
	[tilespmem:s11+$0x2800] =	vst v0;
	s11 =	smov.u32 s10;
	s10 =	sadd.s32 $0x40, s10  }
.Ltmp0:
0xd: {  	(pc) =	sbr.rel @p0 .LBB2_2-.Ltmp0, $2  }
0xe: {  	_ =	sdelay $0x2  }
0xf: {  	s11 =	sshra.s32 s11, $0x2  }
0x10: {  	[tilespmem:s11+$0x2800] =	vst v0;
	s10 =	simm.s32 $0x0  }
0x11: {  	[tilespmem:s10], [sflag:$0x1] =	stream.strided.gather [hbm4b:s3+s6], $0x2800, s7, s6, $0x38;
	[tilespmem:$0x5000] =	vst v63  }
0x12: {  	_ =	swait.ge [sflag:s8], $0x2800  }
0x13: {  	[sflag:s8] =	ssyncset.done $0x0  }
0x14: {  	s11 =	simm.s32 $0x0;
	s10 =	simm.s32 $0x40;
	[sflag:s8] =	ssyncadd.s32 $0xFFFFD800  }
.LBB2_4:
0x15: {  	p0 =	sne.s32 s10, $0x9FC0;
	v2 =	vld [tilespmem:s11+$0x0];
	_ =	sdelay $0x3  }
.Ltmp1:
0x16: {  	(pc) =	sbr.rel @p0 .LBB2_4-.Ltmp1, $2  }
0x17: {  	_ =	sdelay $0x2  }
0x18: {  	s11 =	sshra.s32 s10, $0x2;
	s10 =	sadd.s32 $0x40, s10;
	[tilespmem:v2+s9+$0x0] =	vst.idx.add.f32.msk $0xffff, v1  }
0x19: {  	v2 =	vld [tilespmem:s11+$0x0];
	_ =	sdelay $0x5  }
0x1a: {  	s2 =	sadd.s32 $0x1, s2  }
0x1b: {  	p0 =	sne.s32 s2, s5  }
.Ltmp2:
0x1c: {  	[tilespmem:v2+s9+$0x0] =	vst.idx.add.f32.msk $0xffff, v1;
	(pc) =	sbr.rel @p0 .LBB2_1-.Ltmp2, $4  }
0x1d: {  	[hbm4b:s4+s6] =	stream.strided.scatter [tilespmem:s9], [sflag:$0x1], $0x2800, s7, s6, $0x38;
	[tilespmem:$0x5000] =	vst v63  }
0x1e: {  	_ =	swait.ge [sflag:s8], $0x2800  }
0x1f: {  	[sflag:s8] =	ssyncset.done $0x0  }
0x20: {  	[sflag:s8] =	ssyncadd.s32 $0xFFFFD800  }
0x21: {  	_ =	sfence.sel $0x180000  }
0x22: {  	[bflag:$0x0] =	sbarrier.arrive $0xFFFF  }
0x23: {  	p0 =	sne.s32 s0, $0x0;
	_ =	strace $0x90000047  }
0x24: {  	s0 =	sadd.s32 @!p0 $0x100000, s1;
	[bflag:$0x2] =	sbarrier.arrive $0xFFFF  }
0x25: {  	[sflag:s0] =	ssyncadd.tile.s32 @!p0 $0x1;
	_ =	shalt  }
.Lfunc_end2:
_tile_overlayer_lowered:
.L_overlay_start_2:
0x26: {  	(tag) =	ssettag $0x2  }
0x27: {  	s0 =	rddreg [dreg:$0x0];
	s2 =	stileid.u32  }
0x28: {  	s1 =	rddreg [dreg:$0x1];
	p0 =	sne.s32 s2, $0x0  }
0x29: {  	s3 =	rddreg [dreg:$0x2];
	[bflag:$0x3] =	sbarrier.arrive $0xFFFF;
	s2 =	simm.s32 @!p0 $0x1C01  }
0x2a: {  	[timem:s3], [sflag:s2] =	dma.local @!p0 [hbm:s0], s1  }
0x2b: {  	s0 =	simm.s32 @!p0 $0x1  }
0x2c: {  	_ =	swait.ge @!p0 [sflag:s0], s1  }
0x2d: {  	s1 =	ssub.s32 @!p0 $0x0, s1;
	[sflag:s0] =	ssyncset.done @!p0 $0x0  }
0x2e: {  	[sflag:s0] =	ssyncadd.s32 @!p0 s1  }
0x2f: {  	[bflag:$0x3] =	sbarrier.arrive $0xFFFF  }
0x30: {  	_ =	shalt  }

</sc_bundles>
